<compile_context>
chip_gen: v7x
topology: tpu7x:2x2x1
jax: 0.10.2.dev20260603
libtpu: 0.0.44.dev20260713+nightly
codegen_flags: <defaults>
</compile_context>

<pallas_src>
import functools

import jax
import jax.numpy as jnp
from jax import lax
from jax.experimental import pallas as pl
from jax.experimental.pallas import tpu as pltpu
from jax.experimental.pallas import tpu_sc as plsc

N = 10000
E = 320000
D = 128
R = 16
B = 8
SUB = D // B

NC = 2
NS = 16
NW = NC * NS
L = 16

C = 128
E_PAD = ((E + NW * C - 1) // (NW * C)) * (NW * C)
EW = E_PAD // NW
NCHUNK = EW // C
ZR = 128
N_PAD = ((N + NS * ZR - 1) // (NS * ZR)) * (NS * ZR)
ROWS_PER_TILE = N_PAD // NS
TILE = 400


def _sc_segment_kernel():
  mesh = plsc.VectorSubcoreMesh(core_axis_name="c", subcore_axis_name="s")

  @functools.partial(
      pl.kernel,
      out_type=jax.ShapeDtypeStruct((NC, N_PAD, D), jnp.float32),
      mesh=mesh,
      compiler_params=pltpu.CompilerParams(needs_layout_passes=False),
      scratch_types=[
          pltpu.VMEM((C,), jnp.int32),
          pltpu.VMEM((C,), jnp.int32),
          pltpu.VMEM((C,), jnp.int32),
          pltpu.VMEM((C,), jnp.float32),
          pltpu.VMEM((C,), jnp.int32),
          pltpu.VMEM((C, D), jnp.float32),
          pltpu.VMEM((ZR, D), jnp.float32),
          pltpu.VMEM_SHARED((N_PAD, D), jnp.float32),
          pltpu.SemaphoreType.DMA,
      ],
  )
  def body(table_hbm, src_hbm, r_hbm, dst_hbm, norm_hbm, out_hbm,
           srcv, rv, dstv, normv, gidxv, rowsv, zbuf, acc, sem):
    cid = lax.axis_index("c")
    sid = lax.axis_index("s")
    wid = sid * NC + cid

    def zrow(i, _):
      for j in range(D // L):
        zbuf[i, pl.ds(j * L, L)] = jnp.zeros((L,), jnp.float32)
      return 0
    lax.fori_loop(0, ZR, zrow, 0)
    for t in range(ROWS_PER_TILE // ZR):
      pltpu.sync_copy(zbuf, acc.at[pl.ds(sid * ROWS_PER_TILE + t * ZR, ZR)])
    plsc.subcore_barrier()

    base = wid * EW

    def chunk(k, _):
      off = base + k * C
      pltpu.sync_copy(src_hbm.at[pl.ds(off, C)], srcv)
      pltpu.sync_copy(r_hbm.at[pl.ds(off, C)], rv)
      pltpu.sync_copy(dst_hbm.at[pl.ds(off, C)], dstv)
      pltpu.sync_copy(norm_hbm.at[pl.ds(off, C)], normv)
      for g in range(C // L):
        sl = pl.ds(g * L, L)
        gidxv[sl] = srcv[sl] * R + rv[sl]
      pltpu.async_copy(table_hbm.at[gidxv], rowsv, sem).wait()

      def edge(e, _):
        nsplat = plsc.load_gather(normv, [jnp.zeros((L,), jnp.int32) + e])
        for j in range(D // L):
          sl = pl.ds(j * L, L)
          rowsv[e, sl] = rowsv[e, sl] * nsplat
        return 0
      lax.fori_loop(0, C, edge, 0)
      pltpu.sync_copy(rowsv, acc.at[dstv], add=True)
      return 0

    lax.fori_loop(0, NCHUNK, chunk, 0)
    plsc.subcore_barrier()

    for t in range(ROWS_PER_TILE // ZR):
      rs = sid * ROWS_PER_TILE + t * ZR
      pltpu.sync_copy(acc.at[pl.ds(rs, ZR)], zbuf)
      pltpu.sync_copy(zbuf, out_hbm.at[cid, pl.ds(rs, ZR)])

  return body


_sc_segment = _sc_segment_kernel()


def _tc_first(h_ref, wflat_ref, lw_ref, b_ref, table_ref, sl_ref):
  ht = h_ref[...]
  table_ref[...] = jnp.dot(ht, wflat_ref[...], preferred_element_type=jnp.float32)
  sl_ref[...] = (jnp.dot(ht, lw_ref[...], preferred_element_type=jnp.float32)
                 + b_ref[...])


def _tc_mid(agg_ref, sl_prev_ref, wflat_ref, lw_ref, b_ref, table_ref, sl_ref):
  ht = jax.nn.relu(agg_ref[0] + agg_ref[1] + sl_prev_ref[...])
  table_ref[...] = jnp.dot(ht, wflat_ref[...], preferred_element_type=jnp.float32)
  sl_ref[...] = (jnp.dot(ht, lw_ref[...], preferred_element_type=jnp.float32)
                 + b_ref[...])


def _tc_last(agg_ref, sl_prev_ref, out_ref):
  out_ref[...] = agg_ref[0] + agg_ref[1] + sl_prev_ref[...]


_ROWS = pl.BlockSpec((TILE, D), lambda i: (i, 0))
_ROWS_RD = pl.BlockSpec((TILE, R * D), lambda i: (i, 0))
_AGG = pl.BlockSpec((NC, TILE, D), lambda i: (0, i, 0))
_WFLAT = pl.BlockSpec((D, R * D), lambda i: (0, 0))
_LW = pl.BlockSpec((D, D), lambda i: (0, 0))
_BIAS = pl.BlockSpec((1, D), lambda i: (0, 0))

_TABLE_OUT = (jax.ShapeDtypeStruct((N, R * D), jnp.float32),
              jax.ShapeDtypeStruct((N, D), jnp.float32))


def _dense_w(W):
  Wm = W.reshape(R, B, SUB, SUB)
  eye = jnp.eye(B, dtype=W.dtype)
  Wd = jnp.einsum('rbij,bc->rbicj', Wm, eye).reshape(R, D, D)
  return Wd.transpose(1, 0, 2).reshape(D, R * D)


def kernel(h, edge_index, r, norm, W1, loop_w1, bias1, W2, loop_w2, bias2):
  src = edge_index[0]
  dst = edge_index[1]
  pad = E_PAD - E
  src_p = jnp.concatenate([src, jnp.zeros((pad,), jnp.int32)])
  dst_p = jnp.concatenate([dst, jnp.zeros((pad,), jnp.int32)])
  r_p = jnp.concatenate([r, jnp.zeros((pad,), jnp.int32)])
  norm_p = jnp.concatenate([norm[:, 0], jnp.zeros((pad,), jnp.float32)])

  wflat1 = _dense_w(W1)
  wflat2 = _dense_w(W2)
  b1 = bias1.reshape(1, D)
  b2 = bias2.reshape(1, D)

  table1, sl1 = pl.pallas_call(
      _tc_first,
      grid=(N // TILE,),
      in_specs=[_ROWS, _WFLAT, _LW, _BIAS],
      out_specs=[_ROWS_RD, _ROWS],
      out_shape=_TABLE_OUT,
  )(h, wflat1, loop_w1, b1)

  agg1 = _sc_segment(table1.reshape(N * R, D), src_p, r_p, dst_p, norm_p)

  table2, sl2 = pl.pallas_call(
      _tc_mid,
      grid=(N // TILE,),
      in_specs=[_AGG, _ROWS, _WFLAT, _LW, _BIAS],
      out_specs=[_ROWS_RD, _ROWS],
      out_shape=_TABLE_OUT,
  )(agg1, sl1, wflat2, loop_w2, b2)

  agg2 = _sc_segment(table2.reshape(N * R, D), src_p, r_p, dst_p, norm_p)

  out = pl.pallas_call(
      _tc_last,
      grid=(N // TILE,),
      in_specs=[_AGG, _ROWS],
      out_specs=_ROWS,
      out_shape=jax.ShapeDtypeStruct((N, D), jnp.float32),
  )(agg2, sl2)
  return out

# --- scband reference (transcript-rebuilt; emitter-appended) ---
"""Pipeline reference for scband-link-predict-26585847562287 (READ-ONLY COPY).

The authoritative reference and input builder live on the scoring server;
editing this copy changes nothing except your own understanding.
"""

import jax, jax.numpy as jnp
import numpy as np

N = 10000
E = 320000
D = 128
R = 16
B = 8
SUB = D // B  # 16


def setup_inputs(seed: int = 0) -> dict:
    key = jax.random.key(seed)
    ks = jax.random.split(key, 10)
    h = jax.random.normal(ks[0], (N, D), dtype=jnp.float32)
    edge_index = jax.random.randint(ks[1], (2, E), 0, N, dtype=jnp.int32)
    r = jax.random.randint(ks[2], (E,), 0, R, dtype=jnp.int32)
    norm = jax.random.uniform(ks[3], (E, 1), dtype=jnp.float32)
    # RelGraphConv layer 1 (input layer, bdd regularizer, relu, self_loop, bias)
    W1 = jax.random.normal(ks[4], (R, B, SUB * SUB), dtype=jnp.float32) * 0.05
    loop_w1 = jax.random.normal(ks[5], (D, D), dtype=jnp.float32) * 0.05
    bias1 = jnp.zeros((D,), dtype=jnp.float32)
    # RelGraphConv layer 2 (hidden layer idx=0 of num_hidden_layers=1 -> no activation)
    W2 = jax.random.normal(ks[6], (R, B, SUB * SUB), dtype=jnp.float32) * 0.05
    loop_w2 = jax.random.normal(ks[7], (D, D), dtype=jnp.float32) * 0.05
    bias2 = jnp.zeros((D,), dtype=jnp.float32)
    return {
        'h': h, 'edge_index': edge_index, 'r': r, 'norm': norm,
        'W1': W1, 'loop_w1': loop_w1, 'bias1': bias1,
        'W2': W2, 'loop_w2': loop_w2, 'bias2': bias2,
    }


def _rel_graph_conv(h, edge_index, r, norm, W, loop_w, bias, act):
    # DGL RelGraphConv with regularizer='bdd' (block-diagonal-decomposition),
    # self_loop=True, bias=True, dropout=0 (eval).
    src = edge_index[0]
    dst = edge_index[1]
    h_src = jnp.take(h, src, axis=0)                       # (E, D) gather
    w_e = jnp.take(W, r, axis=0).reshape(-1, B, SUB, SUB)  # (E, B, SUB, SUB) gather by etype
    msg = jnp.einsum('ebi,ebio->ebo', h_src.reshape(-1, B, SUB), w_e)
    msg = msg.reshape(-1, h.shape[1]) * norm               # edge norm
    agg = jax.ops.segment_sum(msg, dst, num_segments=N)    # scatter-add to dst nodes
    out = agg + h @ loop_w + bias                          # self-loop + bias
    if act:
        out = jax.nn.relu(out)
    return out


def reference(h, edge_index, r, norm, W1, loop_w1, bias1, W2, loop_w2, bias2):
    # LinkPredict.forward(g, h, r, norm) -> self.rgcn.forward(g, h, r, norm)
    # RGCN = [input RelGraphConv (relu), hidden RelGraphConv (no act)]
    h1 = _rel_graph_conv(h, edge_index, r, norm, W1, loop_w1, bias1, True)
    h2 = _rel_graph_conv(h1, edge_index, r, norm, W2, loop_w2, bias2, False)
    return h2

if __name__ == "__main__":
    import jax
    _d = setup_inputs()
    print(jax.jit(kernel)(*tuple(_d.values())))

</pallas_src>

<mosaic_0001>
#map = affine_map<(d0, d1) -> (0, 0)>
#map1 = affine_map<(d0, d1) -> (0)>
#map2 = affine_map<(d0, d1) -> (0, 0, 0)>
module attributes {stable_mosaic.version = 14 : i64} {
  func.func @body(%arg0: i32, %arg1: i32, %arg2: memref<160000x128xf32, #tpu.memory_space<hbm>>, %arg3: memref<323584xi32, #tpu.memory_space<hbm>>, %arg4: memref<323584xi32, #tpu.memory_space<hbm>>, %arg5: memref<323584xi32, #tpu.memory_space<hbm>>, %arg6: memref<323584xf32, #tpu.memory_space<hbm>>, %arg7: memref<2x10240x128xf32, #tpu.memory_space<hbm>>, %arg8: memref<128xi32, #tpu.memory_space<vmem>>, %arg9: memref<128xi32, #tpu.memory_space<vmem>>, %arg10: memref<128xi32, #tpu.memory_space<vmem>>, %arg11: memref<128xf32, #tpu.memory_space<vmem>>, %arg12: memref<128xi32, #tpu.memory_space<vmem>>, %arg13: memref<128x128xf32, #tpu.memory_space<vmem>>, %arg14: memref<128x128xf32, #tpu.memory_space<vmem>>, %arg15: memref<10240x128xf32, #tpu.memory_space<vmem_shared>>, %arg16: memref<!tpu.dma_semaphore, #tpu.memory_space<semaphore_mem>>) attributes {dimension_semantics = [#tpu.dimension_semantics<core_parallel>, #tpu.dimension_semantics<subcore_parallel>], iteration_bounds = array<i64: 2, 16>, scalar_prefetch = 0 : i64, scratch_operands = 9 : i64, tpu.core_type = #tpu.core_type<sc_vector_subcore>, window_params = [{transform_indices = #map}, {transform_indices = #map1}, {transform_indices = #map1}, {transform_indices = #map1}, {transform_indices = #map1}, {transform_indices = #map2}]} {
    %mul3A = arith.constant 2 : i32
    %mul3A_0 = arith.muli %arg1, %mul3A : i32
    %add3A = arith.addi %mul3A_0, %arg0 : i32
    %scan3A = arith.constant 0 : i32
    %scan3A_1 = arith.constant 0 : i32
    %scan3A_2 = arith.constant 128 : i32
    %scan3A_3 = arith.addi %scan3A_1, %scan3A_2 : i32
    %scan3A_4 = arith.constant 1 : i32
    %scan3A_5 = scf.for %scan3A_57 = %scan3A_1 to %scan3A_3 step %scan3A_4 iter_args(%scan3A_58 = %scan3A) -> (i32)  : i32 {
      %broadcast_in_dim3A = arith.constant 0.000000e+00 : f32
      %broadcast_in_dim3A_59 = vector.broadcast %broadcast_in_dim3A : f32 to vector<16xf32>
      %swap3A = arith.index_cast %scan3A_57 : i32 to index
      %swap3A_60 = arith.constant 0 : index
      %swap3A_61 = tpu.vector_load %arg14[%swap3A, %swap3A_60] {strides = array<i32>} : memref<128x128xf32, #tpu.memory_space<vmem>>, vector<16xf32>,
      tpu.vector_store %arg14[%swap3A, %swap3A_60], %broadcast_in_dim3A_59 {strides = array<i32>} : memref<128x128xf32, #tpu.memory_space<vmem>>, vector<16xf32>,
      %broadcast_in_dim3A_62 = arith.constant 0.000000e+00 : f32
      %broadcast_in_dim3A_63 = vector.broadcast %broadcast_in_dim3A_62 : f32 to vector<16xf32>
      %swap3A_64 = arith.index_cast %scan3A_57 : i32 to index
      %swap3A_65 = arith.constant 16 : index
      %swap3A_66 = tpu.vector_load %arg14[%swap3A_64, %swap3A_65] {strides = array<i32>} : memref<128x128xf32, #tpu.memory_space<vmem>>, vector<16xf32>,
      tpu.vector_store %arg14[%swap3A_64, %swap3A_65], %broadcast_in_dim3A_63 {strides = array<i32>} : memref<128x128xf32, #tpu.memory_space<vmem>>, vector<16xf32>,
      %broadcast_in_dim3A_67 = arith.constant 0.000000e+00 : f32
      %broadcast_in_dim3A_68 = vector.broadcast %broadcast_in_dim3A_67 : f32 to vector<16xf32>
      %swap3A_69 = arith.index_cast %scan3A_57 : i32 to index
      %swap3A_70 = arith.constant 32 : index
      %swap3A_71 = tpu.vector_load %arg14[%swap3A_69, %swap3A_70] {strides = array<i32>} : memref<128x128xf32, #tpu.memory_space<vmem>>, vector<16xf32>,
      tpu.vector_store %arg14[%swap3A_69, %swap3A_70], %broadcast_in_dim3A_68 {strides = array<i32>} : memref<128x128xf32, #tpu.memory_space<vmem>>, vector<16xf32>,
      %broadcast_in_dim3A_72 = arith.constant 0.000000e+00 : f32
      %broadcast_in_dim3A_73 = vector.broadcast %broadcast_in_dim3A_72 : f32 to vector<16xf32>
      %swap3A_74 = arith.index_cast %scan3A_57 : i32 to index
      %swap3A_75 = arith.constant 48 : index
      %swap3A_76 = tpu.vector_load %arg14[%swap3A_74, %swap3A_75] {strides = array<i32>} : memref<128x128xf32, #tpu.memory_space<vmem>>, vector<16xf32>,
      tpu.vector_store %arg14[%swap3A_74, %swap3A_75], %broadcast_in_dim3A_73 {strides = array<i32>} : memref<128x128xf32, #tpu.memory_space<vmem>>, vector<16xf32>,
      %broadcast_in_dim3A_77 = arith.constant 0.000000e+00 : f32
      %broadcast_in_dim3A_78 = vector.broadcast %broadcast_in_dim3A_77 : f32 to vector<16xf32>
      %swap3A_79 = arith.index_cast %scan3A_57 : i32 to index
      %swap3A_80 = arith.constant 64 : index
      %swap3A_81 = tpu.vector_load %arg14[%swap3A_79, %swap3A_80] {strides = array<i32>} : memref<128x128xf32, #tpu.memory_space<vmem>>, vector<16xf32>,
      tpu.vector_store %arg14[%swap3A_79, %swap3A_80], %broadcast_in_dim3A_78 {strides = array<i32>} : memref<128x128xf32, #tpu.memory_space<vmem>>, vector<16xf32>,
      %broadcast_in_dim3A_82 = arith.constant 0.000000e+00 : f32
      %broadcast_in_dim3A_83 = vector.broadcast %broadcast_in_dim3A_82 : f32 to vector<16xf32>
      %swap3A_84 = arith.index_cast %scan3A_57 : i32 to index
      %swap3A_85 = arith.constant 80 : index
      %swap3A_86 = tpu.vector_load %arg14[%swap3A_84, %swap3A_85] {strides = array<i32>} : memref<128x128xf32, #tpu.memory_space<vmem>>, vector<16xf32>,
      tpu.vector_store %arg14[%swap3A_84, %swap3A_85], %broadcast_in_dim3A_83 {strides = array<i32>} : memref<128x128xf32, #tpu.memory_space<vmem>>, vector<16xf32>,
      %broadcast_in_dim3A_87 = arith.constant 0.000000e+00 : f32
      %broadcast_in_dim3A_88 = vector.broadcast %broadcast_in_dim3A_87 : f32 to vector<16xf32>
      %swap3A_89 = arith.index_cast %scan3A_57 : i32 to index
      %swap3A_90 = arith.constant 96 : index
      %swap3A_91 = tpu.vector_load %arg14[%swap3A_89, %swap3A_90] {strides = array<i32>} : memref<128x128xf32, #tpu.memory_space<vmem>>, vector<16xf32>,
      tpu.vector_store %arg14[%swap3A_89, %swap3A_90], %broadcast_in_dim3A_88 {strides = array<i32>} : memref<128x128xf32, #tpu.memory_space<vmem>>, vector<16xf32>,
      %broadcast_in_dim3A_92 = arith.constant 0.000000e+00 : f32
      %broadcast_in_dim3A_93 = vector.broadcast %broadcast_in_dim3A_92 : f32 to vector<16xf32>
      %swap3A_94 = arith.index_cast %scan3A_57 : i32 to index
      %swap3A_95 = arith.constant 112 : index
      %swap3A_96 = tpu.vector_load %arg14[%swap3A_94, %swap3A_95] {strides = array<i32>} : memref<128x128xf32, #tpu.memory_space<vmem>>, vector<16xf32>,
      tpu.vector_store %arg14[%swap3A_94, %swap3A_95], %broadcast_in_dim3A_93 {strides = array<i32>} : memref<128x128xf32, #tpu.memory_space<vmem>>, vector<16xf32>,
      %scan3A_97 = arith.constant 0 : i32
      scf.yield %scan3A_97 : i32
    }
    %scan3A_6 = arith.constant 128 : i32
    %mul3A_7 = arith.constant 640 : i32
    %mul3A_8 = arith.muli %arg1, %mul3A_7 : i32
    %add3A_9 = arith.constant 0 : i32
    %add3A_10 = arith.addi %mul3A_8, %add3A_9 : i32
    "tpu.region"() ({
      %run_scoped3A = tpu.sem_alloc : memref<!tpu.dma_semaphore, #tpu.memory_space<semaphore_mem>>
      %dma_start3A = arith.constant 0 : i32
      %dma_start3A_57 = tpu.memref_slice %arg15[%add3A_10, %dma_start3A] : memref<10240x128xf32, #tpu.memory_space<vmem_shared>> -> memref<128x128xf32, #tpu.memory_space<vmem_shared>>
      %dma_start3A_58 = arith.constant 0 : i32
      %dma_start3A_59 = tpu.memref_slice %arg15[%add3A_10, %dma_start3A_58] : memref<10240x128xf32, #tpu.memory_space<vmem_shared>> -> memref<128x128xf32, #tpu.memory_space<vmem_shared>>
      tpu.enqueue_dma source(%arg14 : memref<128x128xf32, #tpu.memory_space<vmem>>) target(%dma_start3A_59 : memref<128x128xf32, #tpu.memory_space<vmem_shared>>) target_semaphore(%run_scoped3A : memref<!tpu.dma_semaphore, #tpu.memory_space<semaphore_mem>>)
      %dma_wait3A = arith.constant 0 : i32
      %dma_wait3A_60 = tpu.memref_slice %arg15[%add3A_10, %dma_wait3A] : memref<10240x128xf32, #tpu.memory_space<vmem_shared>> -> memref<128x128xf32, #tpu.memory_space<vmem_shared>>
      %dma_wait3A_61 = arith.constant 0 : i32
      %dma_wait3A_62 = tpu.memref_slice %arg15[%add3A_10, %dma_wait3A_61] : memref<10240x128xf32, #tpu.memory_space<vmem_shared>> -> memref<128x128xf32, #tpu.memory_space<vmem_shared>>
      tpu.wait_dma2 semaphore(%run_scoped3A : memref<!tpu.dma_semaphore, #tpu.memory_space<semaphore_mem>>) src(%arg14 : memref<128x128xf32, #tpu.memory_space<vmem>>) dst(%dma_wait3A_62 : memref<128x128xf32, #tpu.memory_space<vmem_shared>>)
      tpu.yield
    }) : () -> ()
    %mul3A_11 = arith.constant 640 : i32
    %mul3A_12 = arith.muli %arg1, %mul3A_11 : i32
    %add3A_13 = arith.constant 128 : i32
    %add3A_14 = arith.addi %mul3A_12, %add3A_13 : i32
    "tpu.region"() ({
      %run_scoped3A = tpu.sem_alloc : memref<!tpu.dma_semaphore, #tpu.memory_space<semaphore_mem>>
      %dma_start3A = arith.constant 0 : i32
      %dma_start3A_57 = tpu.memref_slice %arg15[%add3A_14, %dma_start3A] : memref<10240x128xf32, #tpu.memory_space<vmem_shared>> -> memref<128x128xf32, #tpu.memory_space<vmem_shared>>
      %dma_start3A_58 = arith.constant 0 : i32
      %dma_start3A_59 = tpu.memref_slice %arg15[%add3A_14, %dma_start3A_58] : memref<10240x128xf32, #tpu.memory_space<vmem_shared>> -> memref<128x128xf32, #tpu.memory_space<vmem_shared>>
      tpu.enqueue_dma source(%arg14 : memref<128x128xf32, #tpu.memory_space<vmem>>) target(%dma_start3A_59 : memref<128x128xf32, #tpu.memory_space<vmem_shared>>) target_semaphore(%run_scoped3A : memref<!tpu.dma_semaphore, #tpu.memory_space<semaphore_mem>>)
      %dma_wait3A = arith.constant 0 : i32
      %dma_wait3A_60 = tpu.memref_slice %arg15[%add3A_14, %dma_wait3A] : memref<10240x128xf32, #tpu.memory_space<vmem_shared>> -> memref<128x128xf32, #tpu.memory_space<vmem_shared>>
      %dma_wait3A_61 = arith.constant 0 : i32
      %dma_wait3A_62 = tpu.memref_slice %arg15[%add3A_14, %dma_wait3A_61] : memref<10240x128xf32, #tpu.memory_space<vmem_shared>> -> memref<128x128xf32, #tpu.memory_space<vmem_shared>>
      tpu.wait_dma2 semaphore(%run_scoped3A : memref<!tpu.dma_semaphore, #tpu.memory_space<semaphore_mem>>) src(%arg14 : memref<128x128xf32, #tpu.memory_space<vmem>>) dst(%dma_wait3A_62 : memref<128x128xf32, #tpu.memory_space<vmem_shared>>)
      tpu.yield
    }) : () -> ()
    %mul3A_15 = arith.constant 640 : i32
    %mul3A_16 = arith.muli %arg1, %mul3A_15 : i32
    %add3A_17 = arith.constant 256 : i32
    %add3A_18 = arith.addi %mul3A_16, %add3A_17 : i32
    "tpu.region"() ({
      %run_scoped3A = tpu.sem_alloc : memref<!tpu.dma_semaphore, #tpu.memory_space<semaphore_mem>>
      %dma_start3A = arith.constant 0 : i32
      %dma_start3A_57 = tpu.memref_slice %arg15[%add3A_18, %dma_start3A] : memref<10240x128xf32, #tpu.memory_space<vmem_shared>> -> memref<128x128xf32, #tpu.memory_space<vmem_shared>>
      %dma_start3A_58 = arith.constant 0 : i32
      %dma_start3A_59 = tpu.memref_slice %arg15[%add3A_18, %dma_start3A_58] : memref<10240x128xf32, #tpu.memory_space<vmem_shared>> -> memref<128x128xf32, #tpu.memory_space<vmem_shared>>
      tpu.enqueue_dma source(%arg14 : memref<128x128xf32, #tpu.memory_space<vmem>>) target(%dma_start3A_59 : memref<128x128xf32, #tpu.memory_space<vmem_shared>>) target_semaphore(%run_scoped3A : memref<!tpu.dma_semaphore, #tpu.memory_space<semaphore_mem>>)
      %dma_wait3A = arith.constant 0 : i32
      %dma_wait3A_60 = tpu.memref_slice %arg15[%add3A_18, %dma_wait3A] : memref<10240x128xf32, #tpu.memory_space<vmem_shared>> -> memref<128x128xf32, #tpu.memory_space<vmem_shared>>
      %dma_wait3A_61 = arith.constant 0 : i32
      %dma_wait3A_62 = tpu.memref_slice %arg15[%add3A_18, %dma_wait3A_61] : memref<10240x128xf32, #tpu.memory_space<vmem_shared>> -> memref<128x128xf32, #tpu.memory_space<vmem_shared>>
      tpu.wait_dma2 semaphore(%run_scoped3A : memref<!tpu.dma_semaphore, #tpu.memory_space<semaphore_mem>>) src(%arg14 : memref<128x128xf32, #tpu.memory_space<vmem>>) dst(%dma_wait3A_62 : memref<128x128xf32, #tpu.memory_space<vmem_shared>>)
      tpu.yield
    }) : () -> ()
    %mul3A_19 = arith.constant 640 : i32
    %mul3A_20 = arith.muli %arg1, %mul3A_19 : i32
    %add3A_21 = arith.constant 384 : i32
    %add3A_22 = arith.addi %mul3A_20, %add3A_21 : i32
    "tpu.region"() ({
      %run_scoped3A = tpu.sem_alloc : memref<!tpu.dma_semaphore, #tpu.memory_space<semaphore_mem>>
      %dma_start3A = arith.constant 0 : i32
      %dma_start3A_57 = tpu.memref_slice %arg15[%add3A_22, %dma_start3A] : memref<10240x128xf32, #tpu.memory_space<vmem_shared>> -> memref<128x128xf32, #tpu.memory_space<vmem_shared>>
      %dma_start3A_58 = arith.constant 0 : i32
      %dma_start3A_59 = tpu.memref_slice %arg15[%add3A_22, %dma_start3A_58] : memref<10240x128xf32, #tpu.memory_space<vmem_shared>> -> memref<128x128xf32, #tpu.memory_space<vmem_shared>>
      tpu.enqueue_dma source(%arg14 : memref<128x128xf32, #tpu.memory_space<vmem>>) target(%dma_start3A_59 : memref<128x128xf32, #tpu.memory_space<vmem_shared>>) target_semaphore(%run_scoped3A : memref<!tpu.dma_semaphore, #tpu.memory_space<semaphore_mem>>)
      %dma_wait3A = arith.constant 0 : i32
      %dma_wait3A_60 = tpu.memref_slice %arg15[%add3A_22, %dma_wait3A] : memref<10240x128xf32, #tpu.memory_space<vmem_shared>> -> memref<128x128xf32, #tpu.memory_space<vmem_shared>>
      %dma_wait3A_61 = arith.constant 0 : i32
      %dma_wait3A_62 = tpu.memref_slice %arg15[%add3A_22, %dma_wait3A_61] : memref<10240x128xf32, #tpu.memory_space<vmem_shared>> -> memref<128x128xf32, #tpu.memory_space<vmem_shared>>
      tpu.wait_dma2 semaphore(%run_scoped3A : memref<!tpu.dma_semaphore, #tpu.memory_space<semaphore_mem>>) src(%arg14 : memref<128x128xf32, #tpu.memory_space<vmem>>) dst(%dma_wait3A_62 : memref<128x128xf32, #tpu.memory_space<vmem_shared>>)
      tpu.yield
    }) : () -> ()
    %mul3A_23 = arith.constant 640 : i32
    %mul3A_24 = arith.muli %arg1, %mul3A_23 : i32
    %add3A_25 = arith.constant 512 : i32
    %add3A_26 = arith.addi %mul3A_24, %add3A_25 : i32
    "tpu.region"() ({
      %run_scoped3A = tpu.sem_alloc : memref<!tpu.dma_semaphore, #tpu.memory_space<semaphore_mem>>
      %dma_start3A = arith.constant 0 : i32
      %dma_start3A_57 = tpu.memref_slice %arg15[%add3A_26, %dma_start3A] : memref<10240x128xf32, #tpu.memory_space<vmem_shared>> -> memref<128x128xf32, #tpu.memory_space<vmem_shared>>
      %dma_start3A_58 = arith.constant 0 : i32
      %dma_start3A_59 = tpu.memref_slice %arg15[%add3A_26, %dma_start3A_58] : memref<10240x128xf32, #tpu.memory_space<vmem_shared>> -> memref<128x128xf32, #tpu.memory_space<vmem_shared>>
      tpu.enqueue_dma source(%arg14 : memref<128x128xf32, #tpu.memory_space<vmem>>) target(%dma_start3A_59 : memref<128x128xf32, #tpu.memory_space<vmem_shared>>) target_semaphore(%run_scoped3A : memref<!tpu.dma_semaphore, #tpu.memory_space<semaphore_mem>>)
      %dma_wait3A = arith.constant 0 : i32
      %dma_wait3A_60 = tpu.memref_slice %arg15[%add3A_26, %dma_wait3A] : memref<10240x128xf32, #tpu.memory_space<vmem_shared>> -> memref<128x128xf32, #tpu.memory_space<vmem_shared>>
      %dma_wait3A_61 = arith.constant 0 : i32
      %dma_wait3A_62 = tpu.memref_slice %arg15[%add3A_26, %dma_wait3A_61] : memref<10240x128xf32, #tpu.memory_space<vmem_shared>> -> memref<128x128xf32, #tpu.memory_space<vmem_shared>>
      tpu.wait_dma2 semaphore(%run_scoped3A : memref<!tpu.dma_semaphore, #tpu.memory_space<semaphore_mem>>) src(%arg14 : memref<128x128xf32, #tpu.memory_space<vmem>>) dst(%dma_wait3A_62 : memref<128x128xf32, #tpu.memory_space<vmem_shared>>)
      tpu.yield
    }) : () -> ()
    %barrier3A = arith.constant 0 : index
    tpu.barrier barrier_id(%barrier3A)
    %mul3A_27 = arith.constant 10112 : i32
    %mul3A_28 = arith.muli %add3A, %mul3A_27 : i32
    %scan3A_29 = arith.constant 0 : i32
    %scan3A_30 = arith.constant 0 : i32
    %scan3A_31 = arith.constant 79 : i32
    %scan3A_32 = arith.addi %scan3A_30, %scan3A_31 : i32
    %scan3A_33 = arith.constant 1 : i32
    %scan3A_34 = scf.for %scan3A_57 = %scan3A_30 to %scan3A_32 step %scan3A_33 iter_args(%scan3A_58 = %scan3A_29) -> (i32)  : i32 {
      %mul3A_59 = arith.constant 128 : i32
      %mul3A_60 = arith.muli %scan3A_57, %mul3A_59 : i32
      %add3A_61 = arith.addi %mul3A_28, %mul3A_60 : i32
      "tpu.region"() ({
        %run_scoped3A = tpu.sem_alloc : memref<!tpu.dma_semaphore, #tpu.memory_space<semaphore_mem>>
        %dma_start3A_152 = tpu.memref_slice %arg3[%add3A_61] : memref<323584xi32, #tpu.memory_space<hbm>> -> memref<128xi32, #tpu.memory_space<hbm>>
        %dma_start3A_153 = tpu.memref_slice %arg3[%add3A_61] : memref<323584xi32, #tpu.memory_space<hbm>> -> memref<128xi32, #tpu.memory_space<hbm>>
        tpu.enqueue_dma source(%dma_start3A_153 : memref<128xi32, #tpu.memory_space<hbm>>) target(%arg8 : memref<128xi32, #tpu.memory_space<vmem>>) target_semaphore(%run_scoped3A : memref<!tpu.dma_semaphore, #tpu.memory_space<semaphore_mem>>)
        %dma_wait3A_154 = tpu.memref_slice %arg3[%add3A_61] : memref<323584xi32, #tpu.memory_space<hbm>> -> memref<128xi32, #tpu.memory_space<hbm>>
        %dma_wait3A_155 = tpu.memref_slice %arg3[%add3A_61] : memref<323584xi32, #tpu.memory_space<hbm>> -> memref<128xi32, #tpu.memory_space<hbm>>
        tpu.wait_dma2 semaphore(%run_scoped3A : memref<!tpu.dma_semaphore, #tpu.memory_space<semaphore_mem>>) src(%dma_wait3A_155 : memref<128xi32, #tpu.memory_space<hbm>>) dst(%arg8 : memref<128xi32, #tpu.memory_space<vmem>>)
        tpu.yield
      }) : () -> ()
      "tpu.region"() ({
        %run_scoped3A = tpu.sem_alloc : memref<!tpu.dma_semaphore, #tpu.memory_space<semaphore_mem>>
        %dma_start3A_152 = tpu.memref_slice %arg4[%add3A_61] : memref<323584xi32, #tpu.memory_space<hbm>> -> memref<128xi32, #tpu.memory_space<hbm>>
        %dma_start3A_153 = tpu.memref_slice %arg4[%add3A_61] : memref<323584xi32, #tpu.memory_space<hbm>> -> memref<128xi32, #tpu.memory_space<hbm>>
        tpu.enqueue_dma source(%dma_start3A_153 : memref<128xi32, #tpu.memory_space<hbm>>) target(%arg9 : memref<128xi32, #tpu.memory_space<vmem>>) target_semaphore(%run_scoped3A : memref<!tpu.dma_semaphore, #tpu.memory_space<semaphore_mem>>)
        %dma_wait3A_154 = tpu.memref_slice %arg4[%add3A_61] : memref<323584xi32, #tpu.memory_space<hbm>> -> memref<128xi32, #tpu.memory_space<hbm>>
        %dma_wait3A_155 = tpu.memref_slice %arg4[%add3A_61] : memref<323584xi32, #tpu.memory_space<hbm>> -> memref<128xi32, #tpu.memory_space<hbm>>
        tpu.wait_dma2 semaphore(%run_scoped3A : memref<!tpu.dma_semaphore, #tpu.memory_space<semaphore_mem>>) src(%dma_wait3A_155 : memref<128xi32, #tpu.memory_space<hbm>>) dst(%arg9 : memref<128xi32, #tpu.memory_space<vmem>>)
        tpu.yield
      }) : () -> ()
      "tpu.region"() ({
        %run_scoped3A = tpu.sem_alloc : memref<!tpu.dma_semaphore, #tpu.memory_space<semaphore_mem>>
        %dma_start3A_152 = tpu.memref_slice %arg5[%add3A_61] : memref<323584xi32, #tpu.memory_space<hbm>> -> memref<128xi32, #tpu.memory_space<hbm>>
        %dma_start3A_153 = tpu.memref_slice %arg5[%add3A_61] : memref<323584xi32, #tpu.memory_space<hbm>> -> memref<128xi32, #tpu.memory_space<hbm>>
        tpu.enqueue_dma source(%dma_start3A_153 : memref<128xi32, #tpu.memory_space<hbm>>) target(%arg10 : memref<128xi32, #tpu.memory_space<vmem>>) target_semaphore(%run_scoped3A : memref<!tpu.dma_semaphore, #tpu.memory_space<semaphore_mem>>)
        %dma_wait3A_154 = tpu.memref_slice %arg5[%add3A_61] : memref<323584xi32, #tpu.memory_space<hbm>> -> memref<128xi32, #tpu.memory_space<hbm>>
        %dma_wait3A_155 = tpu.memref_slice %arg5[%add3A_61] : memref<323584xi32, #tpu.memory_space<hbm>> -> memref<128xi32, #tpu.memory_space<hbm>>
        tpu.wait_dma2 semaphore(%run_scoped3A : memref<!tpu.dma_semaphore, #tpu.memory_space<semaphore_mem>>) src(%dma_wait3A_155 : memref<128xi32, #tpu.memory_space<hbm>>) dst(%arg10 : memref<128xi32, #tpu.memory_space<vmem>>)
        tpu.yield
      }) : () -> ()
      "tpu.region"() ({
        %run_scoped3A = tpu.sem_alloc : memref<!tpu.dma_semaphore, #tpu.memory_space<semaphore_mem>>
        %dma_start3A_152 = tpu.memref_slice %arg6[%add3A_61] : memref<323584xf32, #tpu.memory_space<hbm>> -> memref<128xf32, #tpu.memory_space<hbm>>
        %dma_start3A_153 = tpu.memref_slice %arg6[%add3A_61] : memref<323584xf32, #tpu.memory_space<hbm>> -> memref<128xf32, #tpu.memory_space<hbm>>
        tpu.enqueue_dma source(%dma_start3A_153 : memref<128xf32, #tpu.memory_space<hbm>>) target(%arg11 : memref<128xf32, #tpu.memory_space<vmem>>) target_semaphore(%run_scoped3A : memref<!tpu.dma_semaphore, #tpu.memory_space<semaphore_mem>>)
        %dma_wait3A_154 = tpu.memref_slice %arg6[%add3A_61] : memref<323584xf32, #tpu.memory_space<hbm>> -> memref<128xf32, #tpu.memory_space<hbm>>
        %dma_wait3A_155 = tpu.memref_slice %arg6[%add3A_61] : memref<323584xf32, #tpu.memory_space<hbm>> -> memref<128xf32, #tpu.memory_space<hbm>>
        tpu.wait_dma2 semaphore(%run_scoped3A : memref<!tpu.dma_semaphore, #tpu.memory_space<semaphore_mem>>) src(%dma_wait3A_155 : memref<128xf32, #tpu.memory_space<hbm>>) dst(%arg11 : memref<128xf32, #tpu.memory_space<vmem>>)
        tpu.yield
      }) : () -> ()
      %get3A = arith.constant 0 : index
      %get3A_62 = tpu.vector_load %arg8[%get3A] {strides = array<i32>} : memref<128xi32, #tpu.memory_space<vmem>>, vector<16xi32>,
      %mul3A_63 = arith.constant 16 : i32
      %mul3A_64 = vector.broadcast %mul3A_63 : i32 to vector<16xi32>
      %mul3A_65 = arith.muli %get3A_62, %mul3A_64 : vector<16xi32>
      %get3A_66 = arith.constant 0 : index
      %get3A_67 = tpu.vector_load %arg9[%get3A_66] {strides = array<i32>} : memref<128xi32, #tpu.memory_space<vmem>>, vector<16xi32>,
      %add3A_68 = arith.addi %mul3A_65, %get3A_67 : vector<16xi32>
      %swap3A = arith.constant 0 : index
      %swap3A_69 = tpu.vector_load %arg12[%swap3A] {strides = array<i32>} : memref<128xi32, #tpu.memory_space<vmem>>, vector<16xi32>,
      tpu.vector_store %arg12[%swap3A], %add3A_68 {strides = array<i32>} : memref<128xi32, #tpu.memory_space<vmem>>, vector<16xi32>,
      %get3A_70 = arith.constant 16 : index
      %get3A_71 = tpu.vector_load %arg8[%get3A_70] {strides = array<i32>} : memref<128xi32, #tpu.memory_space<vmem>>, vector<16xi32>,
      %mul3A_72 = arith.constant 16 : i32
      %mul3A_73 = vector.broadcast %mul3A_72 : i32 to vector<16xi32>
      %mul3A_74 = arith.muli %get3A_71, %mul3A_73 : vector<16xi32>
      %get3A_75 = arith.constant 16 : index
      %get3A_76 = tpu.vector_load %arg9[%get3A_75] {strides = array<i32>} : memref<128xi32, #tpu.memory_space<vmem>>, vector<16xi32>,
      %add3A_77 = arith.addi %mul3A_74, %get3A_76 : vector<16xi32>
      %swap3A_78 = arith.constant 16 : index
      %swap3A_79 = tpu.vector_load %arg12[%swap3A_78] {strides = array<i32>} : memref<128xi32, #tpu.memory_space<vmem>>, vector<16xi32>,
      tpu.vector_store %arg12[%swap3A_78], %add3A_77 {strides = array<i32>} : memref<128xi32, #tpu.memory_space<vmem>>, vector<16xi32>,
      %get3A_80 = arith.constant 32 : index
      %get3A_81 = tpu.vector_load %arg8[%get3A_80] {strides = array<i32>} : memref<128xi32, #tpu.memory_space<vmem>>, vector<16xi32>,
      %mul3A_82 = arith.constant 16 : i32
      %mul3A_83 = vector.broadcast %mul3A_82 : i32 to vector<16xi32>
      %mul3A_84 = arith.muli %get3A_81, %mul3A_83 : vector<16xi32>
      %get3A_85 = arith.constant 32 : index
      %get3A_86 = tpu.vector_load %arg9[%get3A_85] {strides = array<i32>} : memref<128xi32, #tpu.memory_space<vmem>>, vector<16xi32>,
      %add3A_87 = arith.addi %mul3A_84, %get3A_86 : vector<16xi32>
      %swap3A_88 = arith.constant 32 : index
      %swap3A_89 = tpu.vector_load %arg12[%swap3A_88] {strides = array<i32>} : memref<128xi32, #tpu.memory_space<vmem>>, vector<16xi32>,
      tpu.vector_store %arg12[%swap3A_88], %add3A_87 {strides = array<i32>} : memref<128xi32, #tpu.memory_space<vmem>>, vector<16xi32>,
      %get3A_90 = arith.constant 48 : index
      %get3A_91 = tpu.vector_load %arg8[%get3A_90] {strides = array<i32>} : memref<128xi32, #tpu.memory_space<vmem>>, vector<16xi32>,
      %mul3A_92 = arith.constant 16 : i32
      %mul3A_93 = vector.broadcast %mul3A_92 : i32 to vector<16xi32>
      %mul3A_94 = arith.muli %get3A_91, %mul3A_93 : vector<16xi32>
      %get3A_95 = arith.constant 48 : index
      %get3A_96 = tpu.vector_load %arg9[%get3A_95] {strides = array<i32>} : memref<128xi32, #tpu.memory_space<vmem>>, vector<16xi32>,
      %add3A_97 = arith.addi %mul3A_94, %get3A_96 : vector<16xi32>
      %swap3A_98 = arith.constant 48 : index
      %swap3A_99 = tpu.vector_load %arg12[%swap3A_98] {strides = array<i32>} : memref<128xi32, #tpu.memory_space<vmem>>, vector<16xi32>,
      tpu.vector_store %arg12[%swap3A_98], %add3A_97 {strides = array<i32>} : memref<128xi32, #tpu.memory_space<vmem>>, vector<16xi32>,
      %get3A_100 = arith.constant 64 : index
      %get3A_101 = tpu.vector_load %arg8[%get3A_100] {strides = array<i32>} : memref<128xi32, #tpu.memory_space<vmem>>, vector<16xi32>,
      %mul3A_102 = arith.constant 16 : i32
      %mul3A_103 = vector.broadcast %mul3A_102 : i32 to vector<16xi32>
      %mul3A_104 = arith.muli %get3A_101, %mul3A_103 : vector<16xi32>
      %get3A_105 = arith.constant 64 : index
      %get3A_106 = tpu.vector_load %arg9[%get3A_105] {strides = array<i32>} : memref<128xi32, #tpu.memory_space<vmem>>, vector<16xi32>,
      %add3A_107 = arith.addi %mul3A_104, %get3A_106 : vector<16xi32>
      %swap3A_108 = arith.constant 64 : index
      %swap3A_109 = tpu.vector_load %arg12[%swap3A_108] {strides = array<i32>} : memref<128xi32, #tpu.memory_space<vmem>>, vector<16xi32>,
      tpu.vector_store %arg12[%swap3A_108], %add3A_107 {strides = array<i32>} : memref<128xi32, #tpu.memory_space<vmem>>, vector<16xi32>,
      %get3A_110 = arith.constant 80 : index
      %get3A_111 = tpu.vector_load %arg8[%get3A_110] {strides = array<i32>} : memref<128xi32, #tpu.memory_space<vmem>>, vector<16xi32>,
      %mul3A_112 = arith.constant 16 : i32
      %mul3A_113 = vector.broadcast %mul3A_112 : i32 to vector<16xi32>
      %mul3A_114 = arith.muli %get3A_111, %mul3A_113 : vector<16xi32>
      %get3A_115 = arith.constant 80 : index
      %get3A_116 = tpu.vector_load %arg9[%get3A_115] {strides = array<i32>} : memref<128xi32, #tpu.memory_space<vmem>>, vector<16xi32>,
      %add3A_117 = arith.addi %mul3A_114, %get3A_116 : vector<16xi32>
      %swap3A_118 = arith.constant 80 : index
      %swap3A_119 = tpu.vector_load %arg12[%swap3A_118] {strides = array<i32>} : memref<128xi32, #tpu.memory_space<vmem>>, vector<16xi32>,
      tpu.vector_store %arg12[%swap3A_118], %add3A_117 {strides = array<i32>} : memref<128xi32, #tpu.memory_space<vmem>>, vector<16xi32>,
      %get3A_120 = arith.constant 96 : index
      %get3A_121 = tpu.vector_load %arg8[%get3A_120] {strides = array<i32>} : memref<128xi32, #tpu.memory_space<vmem>>, vector<16xi32>,
      %mul3A_122 = arith.constant 16 : i32
      %mul3A_123 = vector.broadcast %mul3A_122 : i32 to vector<16xi32>
      %mul3A_124 = arith.muli %get3A_121, %mul3A_123 : vector<16xi32>
      %get3A_125 = arith.constant 96 : index
      %get3A_126 = tpu.vector_load %arg9[%get3A_125] {strides = array<i32>} : memref<128xi32, #tpu.memory_space<vmem>>, vector<16xi32>,
      %add3A_127 = arith.addi %mul3A_124, %get3A_126 : vector<16xi32>
      %swap3A_128 = arith.constant 96 : index
      %swap3A_129 = tpu.vector_load %arg12[%swap3A_128] {strides = array<i32>} : memref<128xi32, #tpu.memory_space<vmem>>, vector<16xi32>,
      tpu.vector_store %arg12[%swap3A_128], %add3A_127 {strides = array<i32>} : memref<128xi32, #tpu.memory_space<vmem>>, vector<16xi32>,
      %get3A_130 = arith.constant 112 : index
      %get3A_131 = tpu.vector_load %arg8[%get3A_130] {strides = array<i32>} : memref<128xi32, #tpu.memory_space<vmem>>, vector<16xi32>,
      %mul3A_132 = arith.constant 16 : i32
      %mul3A_133 = vector.broadcast %mul3A_132 : i32 to vector<16xi32>
      %mul3A_134 = arith.muli %get3A_131, %mul3A_133 : vector<16xi32>
      %get3A_135 = arith.constant 112 : index
      %get3A_136 = tpu.vector_load %arg9[%get3A_135] {strides = array<i32>} : memref<128xi32, #tpu.memory_space<vmem>>, vector<16xi32>,
      %add3A_137 = arith.addi %mul3A_134, %get3A_136 : vector<16xi32>
      %swap3A_138 = arith.constant 112 : index
      %swap3A_139 = tpu.vector_load %arg12[%swap3A_138] {strides = array<i32>} : memref<128xi32, #tpu.memory_space<vmem>>, vector<16xi32>,
      tpu.vector_store %arg12[%swap3A_138], %add3A_137 {strides = array<i32>} : memref<128xi32, #tpu.memory_space<vmem>>, vector<16xi32>,
      %dma_start3A = arith.constant 0 : i32
      %dma_start3A_140 = arith.constant 0 : i32
      %dma_start3A_141 = tpu.memref_slice %arg2[%dma_start3A, %dma_start3A_140] : memref<160000x128xf32, #tpu.memory_space<hbm>> -> memref<160000x128xf32, #tpu.memory_space<hbm>>
      tpu.enqueue_indirect_dma source(%dma_start3A_141 : memref<160000x128xf32, #tpu.memory_space<hbm>>) target(%arg13 : memref<128x128xf32, #tpu.memory_space<vmem>>) offsets(%arg12 : memref<128xi32, #tpu.memory_space<vmem>>) semaphore(%arg16 : memref<!tpu.dma_semaphore, #tpu.memory_space<semaphore_mem>>)
      %dma_wait3A = arith.constant 0 : i32
      %dma_wait3A_142 = arith.constant 0 : i32
      %dma_wait3A_143 = tpu.memref_slice %arg2[%dma_wait3A, %dma_wait3A_142] : memref<160000x128xf32, #tpu.memory_space<hbm>> -> memref<160000x128xf32, #tpu.memory_space<hbm>>
      tpu.wait_indirect_dma semaphore(%arg16 : memref<!tpu.dma_semaphore, #tpu.memory_space<semaphore_mem>>) src(%dma_wait3A_143 : memref<160000x128xf32, #tpu.memory_space<hbm>>) dst(%arg13 : memref<128x128xf32, #tpu.memory_space<vmem>>)
      %scan3A_144 = arith.constant 0 : i32
      %scan3A_145 = arith.constant 0 : i32
      %scan3A_146 = arith.constant 128 : i32
      %scan3A_147 = arith.addi %scan3A_145, %scan3A_146 : i32
      %scan3A_148 = arith.constant 1 : i32
      %scan3A_149 = scf.for %scan3A_152 = %scan3A_145 to %scan3A_147 step %scan3A_148 iter_args(%scan3A_153 = %scan3A_144) -> (i32)  : i32 {
        %broadcast_in_dim3A = arith.constant 0 : i32
        %broadcast_in_dim3A_154 = vector.broadcast %broadcast_in_dim3A : i32 to vector<16xi32>
        %add3A_155 = vector.broadcast %scan3A_152 : i32 to vector<16xi32>
        %add3A_156 = arith.addi %broadcast_in_dim3A_154, %add3A_155 : vector<16xi32>
        %gather3A = tpu.vector_load_idx %arg11[%add3A_156] : memref<128xf32, #tpu.memory_space<vmem>>[vector<16xi32>], vector<16xf32>,
        %get3A_157 = arith.index_cast %scan3A_152 : i32 to index
        %get3A_158 = arith.constant 0 : index
        %get3A_159 = tpu.vector_load %arg13[%get3A_157, %get3A_158] {strides = array<i32>} : memref<128x128xf32, #tpu.memory_space<vmem>>, vector<16xf32>,
        %mul3A_160 = arith.mulf %get3A_159, %gather3A : vector<16xf32>
        %swap3A_161 = arith.index_cast %scan3A_152 : i32 to index
        %swap3A_162 = arith.constant 0 : index
        %swap3A_163 = tpu.vector_load %arg13[%swap3A_161, %swap3A_162] {strides = array<i32>} : memref<128x128xf32, #tpu.memory_space<vmem>>, vector<16xf32>,
        tpu.vector_store %arg13[%swap3A_161, %swap3A_162], %mul3A_160 {strides = array<i32>} : memref<128x128xf32, #tpu.memory_space<vmem>>, vector<16xf32>,
        %get3A_164 = arith.index_cast %scan3A_152 : i32 to index
        %get3A_165 = arith.constant 16 : index
        %get3A_166 = tpu.vector_load %arg13[%get3A_164, %get3A_165] {strides = array<i32>} : memref<128x128xf32, #tpu.memory_space<vmem>>, vector<16xf32>,
        %mul3A_167 = arith.mulf %get3A_166, %gather3A : vector<16xf32>
        %swap3A_168 = arith.index_cast %scan3A_152 : i32 to index
        %swap3A_169 = arith.constant 16 : index
        %swap3A_170 = tpu.vector_load %arg13[%swap3A_168, %swap3A_169] {strides = array<i32>} : memref<128x128xf32, #tpu.memory_space<vmem>>, vector<16xf32>,
        tpu.vector_store %arg13[%swap3A_168, %swap3A_169], %mul3A_167 {strides = array<i32>} : memref<128x128xf32, #tpu.memory_space<vmem>>, vector<16xf32>,
        %get3A_171 = arith.index_cast %scan3A_152 : i32 to index
        %get3A_172 = arith.constant 32 : index
        %get3A_173 = tpu.vector_load %arg13[%get3A_171, %get3A_172] {strides = array<i32>} : memref<128x128xf32, #tpu.memory_space<vmem>>, vector<16xf32>,
        %mul3A_174 = arith.mulf %get3A_173, %gather3A : vector<16xf32>
        %swap3A_175 = arith.index_cast %scan3A_152 : i32 to index
        %swap3A_176 = arith.constant 32 : index
        %swap3A_177 = tpu.vector_load %arg13[%swap3A_175, %swap3A_176] {strides = array<i32>} : memref<128x128xf32, #tpu.memory_space<vmem>>, vector<16xf32>,
        tpu.vector_store %arg13[%swap3A_175, %swap3A_176], %mul3A_174 {strides = array<i32>} : memref<128x128xf32, #tpu.memory_space<vmem>>, vector<16xf32>,
        %get3A_178 = arith.index_cast %scan3A_152 : i32 to index
        %get3A_179 = arith.constant 48 : index
        %get3A_180 = tpu.vector_load %arg13[%get3A_178, %get3A_179] {strides = array<i32>} : memref<128x128xf32, #tpu.memory_space<vmem>>, vector<16xf32>,
        %mul3A_181 = arith.mulf %get3A_180, %gather3A : vector<16xf32>
        %swap3A_182 = arith.index_cast %scan3A_152 : i32 to index
        %swap3A_183 = arith.constant 48 : index
        %swap3A_184 = tpu.vector_load %arg13[%swap3A_182, %swap3A_183] {strides = array<i32>} : memref<128x128xf32, #tpu.memory_space<vmem>>, vector<16xf32>,
        tpu.vector_store %arg13[%swap3A_182, %swap3A_183], %mul3A_181 {strides = array<i32>} : memref<128x128xf32, #tpu.memory_space<vmem>>, vector<16xf32>,
        %get3A_185 = arith.index_cast %scan3A_152 : i32 to index
        %get3A_186 = arith.constant 64 : index
        %get3A_187 = tpu.vector_load %arg13[%get3A_185, %get3A_186] {strides = array<i32>} : memref<128x128xf32, #tpu.memory_space<vmem>>, vector<16xf32>,
        %mul3A_188 = arith.mulf %get3A_187, %gather3A : vector<16xf32>
        %swap3A_189 = arith.index_cast %scan3A_152 : i32 to index
        %swap3A_190 = arith.constant 64 : index
        %swap3A_191 = tpu.vector_load %arg13[%swap3A_189, %swap3A_190] {strides = array<i32>} : memref<128x128xf32, #tpu.memory_space<vmem>>, vector<16xf32>,
        tpu.vector_store %arg13[%swap3A_189, %swap3A_190], %mul3A_188 {strides = array<i32>} : memref<128x128xf32, #tpu.memory_space<vmem>>, vector<16xf32>,
        %get3A_192 = arith.index_cast %scan3A_152 : i32 to index
        %get3A_193 = arith.constant 80 : index
        %get3A_194 = tpu.vector_load %arg13[%get3A_192, %get3A_193] {strides = array<i32>} : memref<128x128xf32, #tpu.memory_space<vmem>>, vector<16xf32>,
        %mul3A_195 = arith.mulf %get3A_194, %gather3A : vector<16xf32>
        %swap3A_196 = arith.index_cast %scan3A_152 : i32 to index
        %swap3A_197 = arith.constant 80 : index
        %swap3A_198 = tpu.vector_load %arg13[%swap3A_196, %swap3A_197] {strides = array<i32>} : memref<128x128xf32, #tpu.memory_space<vmem>>, vector<16xf32>,
        tpu.vector_store %arg13[%swap3A_196, %swap3A_197], %mul3A_195 {strides = array<i32>} : memref<128x128xf32, #tpu.memory_space<vmem>>, vector<16xf32>,
        %get3A_199 = arith.index_cast %scan3A_152 : i32 to index
        %get3A_200 = arith.constant 96 : index
        %get3A_201 = tpu.vector_load %arg13[%get3A_199, %get3A_200] {strides = array<i32>} : memref<128x128xf32, #tpu.memory_space<vmem>>, vector<16xf32>,
        %mul3A_202 = arith.mulf %get3A_201, %gather3A : vector<16xf32>
        %swap3A_203 = arith.index_cast %scan3A_152 : i32 to index
        %swap3A_204 = arith.constant 96 : index
        %swap3A_205 = tpu.vector_load %arg13[%swap3A_203, %swap3A_204] {strides = array<i32>} : memref<128x128xf32, #tpu.memory_space<vmem>>, vector<16xf32>,
        tpu.vector_store %arg13[%swap3A_203, %swap3A_204], %mul3A_202 {strides = array<i32>} : memref<128x128xf32, #tpu.memory_space<vmem>>, vector<16xf32>,
        %get3A_206 = arith.index_cast %scan3A_152 : i32 to index
        %get3A_207 = arith.constant 112 : index
        %get3A_208 = tpu.vector_load %arg13[%get3A_206, %get3A_207] {strides = array<i32>} : memref<128x128xf32, #tpu.memory_space<vmem>>, vector<16xf32>,
        %mul3A_209 = arith.mulf %get3A_208, %gather3A : vector<16xf32>
        %swap3A_210 = arith.index_cast %scan3A_152 : i32 to index
        %swap3A_211 = arith.constant 112 : index
        %swap3A_212 = tpu.vector_load %arg13[%swap3A_210, %swap3A_211] {strides = array<i32>} : memref<128x128xf32, #tpu.memory_space<vmem>>, vector<16xf32>,
        tpu.vector_store %arg13[%swap3A_210, %swap3A_211], %mul3A_209 {strides = array<i32>} : memref<128x128xf32, #tpu.memory_space<vmem>>, vector<16xf32>,
        %scan3A_213 = arith.constant 0 : i32
        scf.yield %scan3A_213 : i32
      }
      %scan3A_150 = arith.constant 128 : i32
      "tpu.region"() ({
        %run_scoped3A = tpu.sem_alloc : memref<!tpu.dma_semaphore, #tpu.memory_space<semaphore_mem>>
        %dma_start3A_152 = arith.constant 0 : i32
        %dma_start3A_153 = arith.constant 0 : i32
        %dma_start3A_154 = tpu.memref_slice %arg15[%dma_start3A_152, %dma_start3A_153] : memref<10240x128xf32, #tpu.memory_space<vmem_shared>> -> memref<10240x128xf32, #tpu.memory_space<vmem_shared>>
        tpu.enqueue_indirect_dma source(%arg13 : memref<128x128xf32, #tpu.memory_space<vmem>>) target(%dma_start3A_154 : memref<10240x128xf32, #tpu.memory_space<vmem_shared>>) offsets(%arg10 : memref<128xi32, #tpu.memory_space<vmem>>) semaphore(%run_scoped3A : memref<!tpu.dma_semaphore, #tpu.memory_space<semaphore_mem>>) {add = true}
        %dma_wait3A_155 = arith.constant 0 : i32
        %dma_wait3A_156 = arith.constant 0 : i32
        %dma_wait3A_157 = tpu.memref_slice %arg15[%dma_wait3A_155, %dma_wait3A_156] : memref<10240x128xf32, #tpu.memory_space<vmem_shared>> -> memref<10240x128xf32, #tpu.memory_space<vmem_shared>>
        tpu.wait_indirect_dma semaphore(%run_scoped3A : memref<!tpu.dma_semaphore, #tpu.memory_space<semaphore_mem>>) src(%arg13 : memref<128x128xf32, #tpu.memory_space<vmem>>) dst(%dma_wait3A_157 : memref<10240x128xf32, #tpu.memory_space<vmem_shared>>)
        tpu.yield
      }) : () -> ()
      %scan3A_151 = arith.constant 0 : i32
      scf.yield %scan3A_151 : i32
    }
    %scan3A_35 = arith.constant 79 : i32
    %barrier3A_36 = arith.constant 0 : index
    tpu.barrier barrier_id(%barrier3A_36)
    %mul3A_37 = arith.constant 640 : i32
    %mul3A_38 = arith.muli %arg1, %mul3A_37 : i32
    %add3A_39 = arith.constant 0 : i32
    %add3A_40 = arith.addi %mul3A_38, %add3A_39 : i32
    "tpu.region"() ({
      %run_scoped3A = tpu.sem_alloc : memref<!tpu.dma_semaphore, #tpu.memory_space<semaphore_mem>>
      %dma_start3A = arith.constant 0 : i32
      %dma_start3A_57 = tpu.memref_slice %arg15[%add3A_40, %dma_start3A] : memref<10240x128xf32, #tpu.memory_space<vmem_shared>> -> memref<128x128xf32, #tpu.memory_space<vmem_shared>>
      %dma_start3A_58 = arith.constant 0 : i32
      %dma_start3A_59 = tpu.memref_slice %arg15[%add3A_40, %dma_start3A_58] : memref<10240x128xf32, #tpu.memory_space<vmem_shared>> -> memref<128x128xf32, #tpu.memory_space<vmem_shared>>
      tpu.enqueue_dma source(%dma_start3A_59 : memref<128x128xf32, #tpu.memory_space<vmem_shared>>) target(%arg14 : memref<128x128xf32, #tpu.memory_space<vmem>>) target_semaphore(%run_scoped3A : memref<!tpu.dma_semaphore, #tpu.memory_space<semaphore_mem>>)
      %dma_wait3A = arith.constant 0 : i32
      %dma_wait3A_60 = tpu.memref_slice %arg15[%add3A_40, %dma_wait3A] : memref<10240x128xf32, #tpu.memory_space<vmem_shared>> -> memref<128x128xf32, #tpu.memory_space<vmem_shared>>
      %dma_wait3A_61 = arith.constant 0 : i32
      %dma_wait3A_62 = tpu.memref_slice %arg15[%add3A_40, %dma_wait3A_61] : memref<10240x128xf32, #tpu.memory_space<vmem_shared>> -> memref<128x128xf32, #tpu.memory_space<vmem_shared>>
      tpu.wait_dma2 semaphore(%run_scoped3A : memref<!tpu.dma_semaphore, #tpu.memory_space<semaphore_mem>>) src(%dma_wait3A_62 : memref<128x128xf32, #tpu.memory_space<vmem_shared>>) dst(%arg14 : memref<128x128xf32, #tpu.memory_space<vmem>>)
      tpu.yield
    }) : () -> ()
    "tpu.region"() ({
      %run_scoped3A = tpu.sem_alloc : memref<!tpu.dma_semaphore, #tpu.memory_space<semaphore_mem>>
      %dma_start3A = arith.constant 0 : i32
      %dma_start3A_57 = tpu.memref_slice %arg7[%arg0, %add3A_40, %dma_start3A] : memref<2x10240x128xf32, #tpu.memory_space<hbm>> -> memref<1x128x128xf32, #tpu.memory_space<hbm>>
      %dma_start3A_58 = tpu.memref_squeeze %dma_start3A_57 : memref<1x128x128xf32, #tpu.memory_space<hbm>> -> memref<128x128xf32, #tpu.memory_space<hbm>>
      %dma_start3A_59 = arith.constant 0 : i32
      %dma_start3A_60 = tpu.memref_slice %arg7[%arg0, %add3A_40, %dma_start3A_59] : memref<2x10240x128xf32, #tpu.memory_space<hbm>> -> memref<1x128x128xf32, #tpu.memory_space<hbm>>
      %dma_start3A_61 = tpu.memref_squeeze %dma_start3A_60 : memref<1x128x128xf32, #tpu.memory_space<hbm>> -> memref<128x128xf32, #tpu.memory_space<hbm>>
      tpu.enqueue_dma source(%arg14 : memref<128x128xf32, #tpu.memory_space<vmem>>) target(%dma_start3A_61 : memref<128x128xf32, #tpu.memory_space<hbm>>) target_semaphore(%run_scoped3A : memref<!tpu.dma_semaphore, #tpu.memory_space<semaphore_mem>>)
      %dma_wait3A = arith.constant 0 : i32
      %dma_wait3A_62 = tpu.memref_slice %arg7[%arg0, %add3A_40, %dma_wait3A] : memref<2x10240x128xf32, #tpu.memory_space<hbm>> -> memref<1x128x128xf32, #tpu.memory_space<hbm>>
      %dma_wait3A_63 = tpu.memref_squeeze %dma_wait3A_62 : memref<1x128x128xf32, #tpu.memory_space<hbm>> -> memref<128x128xf32, #tpu.memory_space<hbm>>
      %dma_wait3A_64 = arith.constant 0 : i32
      %dma_wait3A_65 = tpu.memref_slice %arg7[%arg0, %add3A_40, %dma_wait3A_64] : memref<2x10240x128xf32, #tpu.memory_space<hbm>> -> memref<1x128x128xf32, #tpu.memory_space<hbm>>
      %dma_wait3A_66 = tpu.memref_squeeze %dma_wait3A_65 : memref<1x128x128xf32, #tpu.memory_space<hbm>> -> memref<128x128xf32, #tpu.memory_space<hbm>>
      tpu.wait_dma2 semaphore(%run_scoped3A : memref<!tpu.dma_semaphore, #tpu.memory_space<semaphore_mem>>) src(%arg14 : memref<128x128xf32, #tpu.memory_space<vmem>>) dst(%dma_wait3A_66 : memref<128x128xf32, #tpu.memory_space<hbm>>)
      tpu.yield
    }) : () -> ()
    %mul3A_41 = arith.constant 640 : i32
    %mul3A_42 = arith.muli %arg1, %mul3A_41 : i32
    %add3A_43 = arith.constant 128 : i32
    %add3A_44 = arith.addi %mul3A_42, %add3A_43 : i32
    "tpu.region"() ({
      %run_scoped3A = tpu.sem_alloc : memref<!tpu.dma_semaphore, #tpu.memory_space<semaphore_mem>>
      %dma_start3A = arith.constant 0 : i32
      %dma_start3A_57 = tpu.memref_slice %arg15[%add3A_44, %dma_start3A] : memref<10240x128xf32, #tpu.memory_space<vmem_shared>> -> memref<128x128xf32, #tpu.memory_space<vmem_shared>>
      %dma_start3A_58 = arith.constant 0 : i32
      %dma_start3A_59 = tpu.memref_slice %arg15[%add3A_44, %dma_start3A_58] : memref<10240x128xf32, #tpu.memory_space<vmem_shared>> -> memref<128x128xf32, #tpu.memory_space<vmem_shared>>
      tpu.enqueue_dma source(%dma_start3A_59 : memref<128x128xf32, #tpu.memory_space<vmem_shared>>) target(%arg14 : memref<128x128xf32, #tpu.memory_space<vmem>>) target_semaphore(%run_scoped3A : memref<!tpu.dma_semaphore, #tpu.memory_space<semaphore_mem>>)
      %dma_wait3A = arith.constant 0 : i32
      %dma_wait3A_60 = tpu.memref_slice %arg15[%add3A_44, %dma_wait3A] : memref<10240x128xf32, #tpu.memory_space<vmem_shared>> -> memref<128x128xf32, #tpu.memory_space<vmem_shared>>
      %dma_wait3A_61 = arith.constant 0 : i32
      %dma_wait3A_62 = tpu.memref_slice %arg15[%add3A_44, %dma_wait3A_61] : memref<10240x128xf32, #tpu.memory_space<vmem_shared>> -> memref<128x128xf32, #tpu.memory_space<vmem_shared>>
      tpu.wait_dma2 semaphore(%run_scoped3A : memref<!tpu.dma_semaphore, #tpu.memory_space<semaphore_mem>>) src(%dma_wait3A_62 : memref<128x128xf32, #tpu.memory_space<vmem_shared>>) dst(%arg14 : memref<128x128xf32, #tpu.memory_space<vmem>>)
      tpu.yield
    }) : () -> ()
    "tpu.region"() ({
      %run_scoped3A = tpu.sem_alloc : memref<!tpu.dma_semaphore, #tpu.memory_space<semaphore_mem>>
      %dma_start3A = arith.constant 0 : i32
      %dma_start3A_57 = tpu.memref_slice %arg7[%arg0, %add3A_44, %dma_start3A] : memref<2x10240x128xf32, #tpu.memory_space<hbm>> -> memref<1x128x128xf32, #tpu.memory_space<hbm>>
      %dma_start3A_58 = tpu.memref_squeeze %dma_start3A_57 : memref<1x128x128xf32, #tpu.memory_space<hbm>> -> memref<128x128xf32, #tpu.memory_space<hbm>>
      %dma_start3A_59 = arith.constant 0 : i32
      %dma_start3A_60 = tpu.memref_slice %arg7[%arg0, %add3A_44, %dma_start3A_59] : memref<2x10240x128xf32, #tpu.memory_space<hbm>> -> memref<1x128x128xf32, #tpu.memory_space<hbm>>
      %dma_start3A_61 = tpu.memref_squeeze %dma_start3A_60 : memref<1x128x128xf32, #tpu.memory_space<hbm>> -> memref<128x128xf32, #tpu.memory_space<hbm>>
      tpu.enqueue_dma source(%arg14 : memref<128x128xf32, #tpu.memory_space<vmem>>) target(%dma_start3A_61 : memref<128x128xf32, #tpu.memory_space<hbm>>) target_semaphore(%run_scoped3A : memref<!tpu.dma_semaphore, #tpu.memory_space<semaphore_mem>>)
      %dma_wait3A = arith.constant 0 : i32
      %dma_wait3A_62 = tpu.memref_slice %arg7[%arg0, %add3A_44, %dma_wait3A] : memref<2x10240x128xf32, #tpu.memory_space<hbm>> -> memref<1x128x128xf32, #tpu.memory_space<hbm>>
      %dma_wait3A_63 = tpu.memref_squeeze %dma_wait3A_62 : memref<1x128x128xf32, #tpu.memory_space<hbm>> -> memref<128x128xf32, #tpu.memory_space<hbm>>
      %dma_wait3A_64 = arith.constant 0 : i32
      %dma_wait3A_65 = tpu.memref_slice %arg7[%arg0, %add3A_44, %dma_wait3A_64] : memref<2x10240x128xf32, #tpu.memory_space<hbm>> -> memref<1x128x128xf32, #tpu.memory_space<hbm>>
      %dma_wait3A_66 = tpu.memref_squeeze %dma_wait3A_65 : memref<1x128x128xf32, #tpu.memory_space<hbm>> -> memref<128x128xf32, #tpu.memory_space<hbm>>
      tpu.wait_dma2 semaphore(%run_scoped3A : memref<!tpu.dma_semaphore, #tpu.memory_space<semaphore_mem>>) src(%arg14 : memref<128x128xf32, #tpu.memory_space<vmem>>) dst(%dma_wait3A_66 : memref<128x128xf32, #tpu.memory_space<hbm>>)
      tpu.yield
    }) : () -> ()
    %mul3A_45 = arith.constant 640 : i32
    %mul3A_46 = arith.muli %arg1, %mul3A_45 : i32
    %add3A_47 = arith.constant 256 : i32
    %add3A_48 = arith.addi %mul3A_46, %add3A_47 : i32
    "tpu.region"() ({
      %run_scoped3A = tpu.sem_alloc : memref<!tpu.dma_semaphore, #tpu.memory_space<semaphore_mem>>
      %dma_start3A = arith.constant 0 : i32
      %dma_start3A_57 = tpu.memref_slice %arg15[%add3A_48, %dma_start3A] : memref<10240x128xf32, #tpu.memory_space<vmem_shared>> -> memref<128x128xf32, #tpu.memory_space<vmem_shared>>
      %dma_start3A_58 = arith.constant 0 : i32
      %dma_start3A_59 = tpu.memref_slice %arg15[%add3A_48, %dma_start3A_58] : memref<10240x128xf32, #tpu.memory_space<vmem_shared>> -> memref<128x128xf32, #tpu.memory_space<vmem_shared>>
      tpu.enqueue_dma source(%dma_start3A_59 : memref<128x128xf32, #tpu.memory_space<vmem_shared>>) target(%arg14 : memref<128x128xf32, #tpu.memory_space<vmem>>) target_semaphore(%run_scoped3A : memref<!tpu.dma_semaphore, #tpu.memory_space<semaphore_mem>>)
      %dma_wait3A = arith.constant 0 : i32
      %dma_wait3A_60 = tpu.memref_slice %arg15[%add3A_48, %dma_wait3A] : memref<10240x128xf32, #tpu.memory_space<vmem_shared>> -> memref<128x128xf32, #tpu.memory_space<vmem_shared>>
      %dma_wait3A_61 = arith.constant 0 : i32
      %dma_wait3A_62 = tpu.memref_slice %arg15[%add3A_48, %dma_wait3A_61] : memref<10240x128xf32, #tpu.memory_space<vmem_shared>> -> memref<128x128xf32, #tpu.memory_space<vmem_shared>>
      tpu.wait_dma2 semaphore(%run_scoped3A : memref<!tpu.dma_semaphore, #tpu.memory_space<semaphore_mem>>) src(%dma_wait3A_62 : memref<128x128xf32, #tpu.memory_space<vmem_shared>>) dst(%arg14 : memref<128x128xf32, #tpu.memory_space<vmem>>)
      tpu.yield
    }) : () -> ()
    "tpu.region"() ({
      %run_scoped3A = tpu.sem_alloc : memref<!tpu.dma_semaphore, #tpu.memory_space<semaphore_mem>>
      %dma_start3A = arith.constant 0 : i32
      %dma_start3A_57 = tpu.memref_slice %arg7[%arg0, %add3A_48, %dma_start3A] : memref<2x10240x128xf32, #tpu.memory_space<hbm>> -> memref<1x128x128xf32, #tpu.memory_space<hbm>>
      %dma_start3A_58 = tpu.memref_squeeze %dma_start3A_57 : memref<1x128x128xf32, #tpu.memory_space<hbm>> -> memref<128x128xf32, #tpu.memory_space<hbm>>
      %dma_start3A_59 = arith.constant 0 : i32
      %dma_start3A_60 = tpu.memref_slice %arg7[%arg0, %add3A_48, %dma_start3A_59] : memref<2x10240x128xf32, #tpu.memory_space<hbm>> -> memref<1x128x128xf32, #tpu.memory_space<hbm>>
      %dma_start3A_61 = tpu.memref_squeeze %dma_start3A_60 : memref<1x128x128xf32, #tpu.memory_space<hbm>> -> memref<128x128xf32, #tpu.memory_space<hbm>>
      tpu.enqueue_dma source(%arg14 : memref<128x128xf32, #tpu.memory_space<vmem>>) target(%dma_start3A_61 : memref<128x128xf32, #tpu.memory_space<hbm>>) target_semaphore(%run_scoped3A : memref<!tpu.dma_semaphore, #tpu.memory_space<semaphore_mem>>)
      %dma_wait3A = arith.constant 0 : i32
      %dma_wait3A_62 = tpu.memref_slice %arg7[%arg0, %add3A_48, %dma_wait3A] : memref<2x10240x128xf32, #tpu.memory_space<hbm>> -> memref<1x128x128xf32, #tpu.memory_space<hbm>>
      %dma_wait3A_63 = tpu.memref_squeeze %dma_wait3A_62 : memref<1x128x128xf32, #tpu.memory_space<hbm>> -> memref<128x128xf32, #tpu.memory_space<hbm>>
      %dma_wait3A_64 = arith.constant 0 : i32
      %dma_wait3A_65 = tpu.memref_slice %arg7[%arg0, %add3A_48, %dma_wait3A_64] : memref<2x10240x128xf32, #tpu.memory_space<hbm>> -> memref<1x128x128xf32, #tpu.memory_space<hbm>>
      %dma_wait3A_66 = tpu.memref_squeeze %dma_wait3A_65 : memref<1x128x128xf32, #tpu.memory_space<hbm>> -> memref<128x128xf32, #tpu.memory_space<hbm>>
      tpu.wait_dma2 semaphore(%run_scoped3A : memref<!tpu.dma_semaphore, #tpu.memory_space<semaphore_mem>>) src(%arg14 : memref<128x128xf32, #tpu.memory_space<vmem>>) dst(%dma_wait3A_66 : memref<128x128xf32, #tpu.memory_space<hbm>>)
      tpu.yield
    }) : () -> ()
    %mul3A_49 = arith.constant 640 : i32
    %mul3A_50 = arith.muli %arg1, %mul3A_49 : i32
    %add3A_51 = arith.constant 384 : i32
    %add3A_52 = arith.addi %mul3A_50, %add3A_51 : i32
    "tpu.region"() ({
      %run_scoped3A = tpu.sem_alloc : memref<!tpu.dma_semaphore, #tpu.memory_space<semaphore_mem>>
      %dma_start3A = arith.constant 0 : i32
      %dma_start3A_57 = tpu.memref_slice %arg15[%add3A_52, %dma_start3A] : memref<10240x128xf32, #tpu.memory_space<vmem_shared>> -> memref<128x128xf32, #tpu.memory_space<vmem_shared>>
      %dma_start3A_58 = arith.constant 0 : i32
      %dma_start3A_59 = tpu.memref_slice %arg15[%add3A_52, %dma_start3A_58] : memref<10240x128xf32, #tpu.memory_space<vmem_shared>> -> memref<128x128xf32, #tpu.memory_space<vmem_shared>>
      tpu.enqueue_dma source(%dma_start3A_59 : memref<128x128xf32, #tpu.memory_space<vmem_shared>>) target(%arg14 : memref<128x128xf32, #tpu.memory_space<vmem>>) target_semaphore(%run_scoped3A : memref<!tpu.dma_semaphore, #tpu.memory_space<semaphore_mem>>)
      %dma_wait3A = arith.constant 0 : i32
      %dma_wait3A_60 = tpu.memref_slice %arg15[%add3A_52, %dma_wait3A] : memref<10240x128xf32, #tpu.memory_space<vmem_shared>> -> memref<128x128xf32, #tpu.memory_space<vmem_shared>>
      %dma_wait3A_61 = arith.constant 0 : i32
      %dma_wait3A_62 = tpu.memref_slice %arg15[%add3A_52, %dma_wait3A_61] : memref<10240x128xf32, #tpu.memory_space<vmem_shared>> -> memref<128x128xf32, #tpu.memory_space<vmem_shared>>
      tpu.wait_dma2 semaphore(%run_scoped3A : memref<!tpu.dma_semaphore, #tpu.memory_space<semaphore_mem>>) src(%dma_wait3A_62 : memref<128x128xf32, #tpu.memory_space<vmem_shared>>) dst(%arg14 : memref<128x128xf32, #tpu.memory_space<vmem>>)
      tpu.yield
    }) : () -> ()
    "tpu.region"() ({
      %run_scoped3A = tpu.sem_alloc : memref<!tpu.dma_semaphore, #tpu.memory_space<semaphore_mem>>
      %dma_start3A = arith.constant 0 : i32
      %dma_start3A_57 = tpu.memref_slice %arg7[%arg0, %add3A_52, %dma_start3A] : memref<2x10240x128xf32, #tpu.memory_space<hbm>> -> memref<1x128x128xf32, #tpu.memory_space<hbm>>
      %dma_start3A_58 = tpu.memref_squeeze %dma_start3A_57 : memref<1x128x128xf32, #tpu.memory_space<hbm>> -> memref<128x128xf32, #tpu.memory_space<hbm>>
      %dma_start3A_59 = arith.constant 0 : i32
      %dma_start3A_60 = tpu.memref_slice %arg7[%arg0, %add3A_52, %dma_start3A_59] : memref<2x10240x128xf32, #tpu.memory_space<hbm>> -> memref<1x128x128xf32, #tpu.memory_space<hbm>>
      %dma_start3A_61 = tpu.memref_squeeze %dma_start3A_60 : memref<1x128x128xf32, #tpu.memory_space<hbm>> -> memref<128x128xf32, #tpu.memory_space<hbm>>
      tpu.enqueue_dma source(%arg14 : memref<128x128xf32, #tpu.memory_space<vmem>>) target(%dma_start3A_61 : memref<128x128xf32, #tpu.memory_space<hbm>>) target_semaphore(%run_scoped3A : memref<!tpu.dma_semaphore, #tpu.memory_space<semaphore_mem>>)
      %dma_wait3A = arith.constant 0 : i32
      %dma_wait3A_62 = tpu.memref_slice %arg7[%arg0, %add3A_52, %dma_wait3A] : memref<2x10240x128xf32, #tpu.memory_space<hbm>> -> memref<1x128x128xf32, #tpu.memory_space<hbm>>
      %dma_wait3A_63 = tpu.memref_squeeze %dma_wait3A_62 : memref<1x128x128xf32, #tpu.memory_space<hbm>> -> memref<128x128xf32, #tpu.memory_space<hbm>>
      %dma_wait3A_64 = arith.constant 0 : i32
      %dma_wait3A_65 = tpu.memref_slice %arg7[%arg0, %add3A_52, %dma_wait3A_64] : memref<2x10240x128xf32, #tpu.memory_space<hbm>> -> memref<1x128x128xf32, #tpu.memory_space<hbm>>
      %dma_wait3A_66 = tpu.memref_squeeze %dma_wait3A_65 : memref<1x128x128xf32, #tpu.memory_space<hbm>> -> memref<128x128xf32, #tpu.memory_space<hbm>>
      tpu.wait_dma2 semaphore(%run_scoped3A : memref<!tpu.dma_semaphore, #tpu.memory_space<semaphore_mem>>) src(%arg14 : memref<128x128xf32, #tpu.memory_space<vmem>>) dst(%dma_wait3A_66 : memref<128x128xf32, #tpu.memory_space<hbm>>)
      tpu.yield
    }) : () -> ()
    %mul3A_53 = arith.constant 640 : i32
    %mul3A_54 = arith.muli %arg1, %mul3A_53 : i32
    %add3A_55 = arith.constant 512 : i32
    %add3A_56 = arith.addi %mul3A_54, %add3A_55 : i32
    "tpu.region"() ({
      %run_scoped3A = tpu.sem_alloc : memref<!tpu.dma_semaphore, #tpu.memory_space<semaphore_mem>>
      %dma_start3A = arith.constant 0 : i32
      %dma_start3A_57 = tpu.memref_slice %arg15[%add3A_56, %dma_start3A] : memref<10240x128xf32, #tpu.memory_space<vmem_shared>> -> memref<128x128xf32, #tpu.memory_space<vmem_shared>>
      %dma_start3A_58 = arith.constant 0 : i32
      %dma_start3A_59 = tpu.memref_slice %arg15[%add3A_56, %dma_start3A_58] : memref<10240x128xf32, #tpu.memory_space<vmem_shared>> -> memref<128x128xf32, #tpu.memory_space<vmem_shared>>
      tpu.enqueue_dma source(%dma_start3A_59 : memref<128x128xf32, #tpu.memory_space<vmem_shared>>) target(%arg14 : memref<128x128xf32, #tpu.memory_space<vmem>>) target_semaphore(%run_scoped3A : memref<!tpu.dma_semaphore, #tpu.memory_space<semaphore_mem>>)
      %dma_wait3A = arith.constant 0 : i32
      %dma_wait3A_60 = tpu.memref_slice %arg15[%add3A_56, %dma_wait3A] : memref<10240x128xf32, #tpu.memory_space<vmem_shared>> -> memref<128x128xf32, #tpu.memory_space<vmem_shared>>
      %dma_wait3A_61 = arith.constant 0 : i32
      %dma_wait3A_62 = tpu.memref_slice %arg15[%add3A_56, %dma_wait3A_61] : memref<10240x128xf32, #tpu.memory_space<vmem_shared>> -> memref<128x128xf32, #tpu.memory_space<vmem_shared>>
      tpu.wait_dma2 semaphore(%run_scoped3A : memref<!tpu.dma_semaphore, #tpu.memory_space<semaphore_mem>>) src(%dma_wait3A_62 : memref<128x128xf32, #tpu.memory_space<vmem_shared>>) dst(%arg14 : memref<128x128xf32, #tpu.memory_space<vmem>>)
      tpu.yield
    }) : () -> ()
    "tpu.region"() ({
      %run_scoped3A = tpu.sem_alloc : memref<!tpu.dma_semaphore, #tpu.memory_space<semaphore_mem>>
      %dma_start3A = arith.constant 0 : i32
      %dma_start3A_57 = tpu.memref_slice %arg7[%arg0, %add3A_56, %dma_start3A] : memref<2x10240x128xf32, #tpu.memory_space<hbm>> -> memref<1x128x128xf32, #tpu.memory_space<hbm>>
      %dma_start3A_58 = tpu.memref_squeeze %dma_start3A_57 : memref<1x128x128xf32, #tpu.memory_space<hbm>> -> memref<128x128xf32, #tpu.memory_space<hbm>>
      %dma_start3A_59 = arith.constant 0 : i32
      %dma_start3A_60 = tpu.memref_slice %arg7[%arg0, %add3A_56, %dma_start3A_59] : memref<2x10240x128xf32, #tpu.memory_space<hbm>> -> memref<1x128x128xf32, #tpu.memory_space<hbm>>
      %dma_start3A_61 = tpu.memref_squeeze %dma_start3A_60 : memref<1x128x128xf32, #tpu.memory_space<hbm>> -> memref<128x128xf32, #tpu.memory_space<hbm>>
      tpu.enqueue_dma source(%arg14 : memref<128x128xf32, #tpu.memory_space<vmem>>) target(%dma_start3A_61 : memref<128x128xf32, #tpu.memory_space<hbm>>) target_semaphore(%run_scoped3A : memref<!tpu.dma_semaphore, #tpu.memory_space<semaphore_mem>>)
      %dma_wait3A = arith.constant 0 : i32
      %dma_wait3A_62 = tpu.memref_slice %arg7[%arg0, %add3A_56, %dma_wait3A] : memref<2x10240x128xf32, #tpu.memory_space<hbm>> -> memref<1x128x128xf32, #tpu.memory_space<hbm>>
      %dma_wait3A_63 = tpu.memref_squeeze %dma_wait3A_62 : memref<1x128x128xf32, #tpu.memory_space<hbm>> -> memref<128x128xf32, #tpu.memory_space<hbm>>
      %dma_wait3A_64 = arith.constant 0 : i32
      %dma_wait3A_65 = tpu.memref_slice %arg7[%arg0, %add3A_56, %dma_wait3A_64] : memref<2x10240x128xf32, #tpu.memory_space<hbm>> -> memref<1x128x128xf32, #tpu.memory_space<hbm>>
      %dma_wait3A_66 = tpu.memref_squeeze %dma_wait3A_65 : memref<1x128x128xf32, #tpu.memory_space<hbm>> -> memref<128x128xf32, #tpu.memory_space<hbm>>
      tpu.wait_dma2 semaphore(%run_scoped3A : memref<!tpu.dma_semaphore, #tpu.memory_space<semaphore_mem>>) src(%arg14 : memref<128x128xf32, #tpu.memory_space<vmem>>) dst(%dma_wait3A_66 : memref<128x128xf32, #tpu.memory_space<hbm>>)
      tpu.yield
    }) : () -> ()
    return
  }
}

#map = affine_map<(d0, d1) -> (0, 0)>
#map1 = affine_map<(d0, d1) -> (0)>
#map2 = affine_map<(d0, d1) -> (0, 0, 0)>
module attributes {stable_mosaic.version = 14 : i64} {
  func.func @body(%arg0: i32, %arg1: i32, %arg2: memref<160000x128xf32, #tpu.memory_space<hbm>>, %arg3: memref<323584xi32, #tpu.memory_space<hbm>>, %arg4: memref<323584xi32, #tpu.memory_space<hbm>>, %arg5: memref<323584xi32, #tpu.memory_space<hbm>>, %arg6: memref<323584xf32, #tpu.memory_space<hbm>>, %arg7: memref<2x10240x128xf32, #tpu.memory_space<hbm>>, %arg8: memref<128xi32, #tpu.memory_space<vmem>>, %arg9: memref<128xi32, #tpu.memory_space<vmem>>, %arg10: memref<128xi32, #tpu.memory_space<vmem>>, %arg11: memref<128xf32, #tpu.memory_space<vmem>>, %arg12: memref<128xi32, #tpu.memory_space<vmem>>, %arg13: memref<128x128xf32, #tpu.memory_space<vmem>>, %arg14: memref<128x128xf32, #tpu.memory_space<vmem>>, %arg15: memref<10240x128xf32, #tpu.memory_space<vmem_shared>>, %arg16: memref<!tpu.dma_semaphore, #tpu.memory_space<semaphore_mem>>) attributes {dimension_semantics = [#tpu.dimension_semantics<core_parallel>, #tpu.dimension_semantics<subcore_parallel>], iteration_bounds = array<i64: 2, 16>, scalar_prefetch = 0 : i64, scratch_operands = 9 : i64, tpu.core_type = #tpu.core_type<sc_vector_subcore>, window_params = [{transform_indices = #map}, {transform_indices = #map1}, {transform_indices = #map1}, {transform_indices = #map1}, {transform_indices = #map1}, {transform_indices = #map2}]} {
    %mul3A = arith.constant 2 : i32
    %mul3A_0 = arith.muli %arg1, %mul3A : i32
    %add3A = arith.addi %mul3A_0, %arg0 : i32
    %scan3A = arith.constant 0 : i32
    %scan3A_1 = arith.constant 0 : i32
    %scan3A_2 = arith.constant 128 : i32
    %scan3A_3 = arith.addi %scan3A_1, %scan3A_2 : i32
    %scan3A_4 = arith.constant 1 : i32
    %scan3A_5 = scf.for %scan3A_57 = %scan3A_1 to %scan3A_3 step %scan3A_4 iter_args(%scan3A_58 = %scan3A) -> (i32)  : i32 {
      %broadcast_in_dim3A = arith.constant 0.000000e+00 : f32
      %broadcast_in_dim3A_59 = vector.broadcast %broadcast_in_dim3A : f32 to vector<16xf32>
      %swap3A = arith.index_cast %scan3A_57 : i32 to index
      %swap3A_60 = arith.constant 0 : index
      %swap3A_61 = tpu.vector_load %arg14[%swap3A, %swap3A_60] {strides = array<i32>} : memref<128x128xf32, #tpu.memory_space<vmem>>, vector<16xf32>,
      tpu.vector_store %arg14[%swap3A, %swap3A_60], %broadcast_in_dim3A_59 {strides = array<i32>} : memref<128x128xf32, #tpu.memory_space<vmem>>, vector<16xf32>,
      %broadcast_in_dim3A_62 = arith.constant 0.000000e+00 : f32
      %broadcast_in_dim3A_63 = vector.broadcast %broadcast_in_dim3A_62 : f32 to vector<16xf32>
      %swap3A_64 = arith.index_cast %scan3A_57 : i32 to index
      %swap3A_65 = arith.constant 16 : index
      %swap3A_66 = tpu.vector_load %arg14[%swap3A_64, %swap3A_65] {strides = array<i32>} : memref<128x128xf32, #tpu.memory_space<vmem>>, vector<16xf32>,
      tpu.vector_store %arg14[%swap3A_64, %swap3A_65], %broadcast_in_dim3A_63 {strides = array<i32>} : memref<128x128xf32, #tpu.memory_space<vmem>>, vector<16xf32>,
      %broadcast_in_dim3A_67 = arith.constant 0.000000e+00 : f32
      %broadcast_in_dim3A_68 = vector.broadcast %broadcast_in_dim3A_67 : f32 to vector<16xf32>
      %swap3A_69 = arith.index_cast %scan3A_57 : i32 to index
      %swap3A_70 = arith.constant 32 : index
      %swap3A_71 = tpu.vector_load %arg14[%swap3A_69, %swap3A_70] {strides = array<i32>} : memref<128x128xf32, #tpu.memory_space<vmem>>, vector<16xf32>,
      tpu.vector_store %arg14[%swap3A_69, %swap3A_70], %broadcast_in_dim3A_68 {strides = array<i32>} : memref<128x128xf32, #tpu.memory_space<vmem>>, vector<16xf32>,
      %broadcast_in_dim3A_72 = arith.constant 0.000000e+00 : f32
      %broadcast_in_dim3A_73 = vector.broadcast %broadcast_in_dim3A_72 : f32 to vector<16xf32>
      %swap3A_74 = arith.index_cast %scan3A_57 : i32 to index
      %swap3A_75 = arith.constant 48 : index
      %swap3A_76 = tpu.vector_load %arg14[%swap3A_74, %swap3A_75] {strides = array<i32>} : memref<128x128xf32, #tpu.memory_space<vmem>>, vector<16xf32>,
      tpu.vector_store %arg14[%swap3A_74, %swap3A_75], %broadcast_in_dim3A_73 {strides = array<i32>} : memref<128x128xf32, #tpu.memory_space<vmem>>, vector<16xf32>,
      %broadcast_in_dim3A_77 = arith.constant 0.000000e+00 : f32
      %broadcast_in_dim3A_78 = vector.broadcast %broadcast_in_dim3A_77 : f32 to vector<16xf32>
      %swap3A_79 = arith.index_cast %scan3A_57 : i32 to index
      %swap3A_80 = arith.constant 64 : index
      %swap3A_81 = tpu.vector_load %arg14[%swap3A_79, %swap3A_80] {strides = array<i32>} : memref<128x128xf32, #tpu.memory_space<vmem>>, vector<16xf32>,
      tpu.vector_store %arg14[%swap3A_79, %swap3A_80], %broadcast_in_dim3A_78 {strides = array<i32>} : memref<128x128xf32, #tpu.memory_space<vmem>>, vector<16xf32>,
      %broadcast_in_dim3A_82 = arith.constant 0.000000e+00 : f32
      %broadcast_in_dim3A_83 = vector.broadcast %broadcast_in_dim3A_82 : f32 to vector<16xf32>
      %swap3A_84 = arith.index_cast %scan3A_57 : i32 to index
      %swap3A_85 = arith.constant 80 : index
      %swap3A_86 = tpu.vector_load %arg14[%swap3A_84, %swap3A_85] {strides = array<i32>} : memref<128x128xf32, #tpu.memory_space<vmem>>, vector<16xf32>,
      tpu.vector_store %arg14[%swap3A_84, %swap3A_85], %broadcast_in_dim3A_83 {strides = array<i32>} : memref<128x128xf32, #tpu.memory_space<vmem>>, vector<16xf32>,
      %broadcast_in_dim3A_87 = arith.constant 0.000000e+00 : f32
      %broadcast_in_dim3A_88 = vector.broadcast %broadcast_in_dim3A_87 : f32 to vector<16xf32>
      %swap3A_89 = arith.index_cast %scan3A_57 : i32 to index
      %swap3A_90 = arith.constant 96 : index
      %swap3A_91 = tpu.vector_load %arg14[%swap3A_89, %swap3A_90] {strides = array<i32>} : memref<128x128xf32, #tpu.memory_space<vmem>>, vector<16xf32>,
      tpu.vector_store %arg14[%swap3A_89, %swap3A_90], %broadcast_in_dim3A_88 {strides = array<i32>} : memref<128x128xf32, #tpu.memory_space<vmem>>, vector<16xf32>,
      %broadcast_in_dim3A_92 = arith.constant 0.000000e+00 : f32
      %broadcast_in_dim3A_93 = vector.broadcast %broadcast_in_dim3A_92 : f32 to vector<16xf32>
      %swap3A_94 = arith.index_cast %scan3A_57 : i32 to index
      %swap3A_95 = arith.constant 112 : index
      %swap3A_96 = tpu.vector_load %arg14[%swap3A_94, %swap3A_95] {strides = array<i32>} : memref<128x128xf32, #tpu.memory_space<vmem>>, vector<16xf32>,
      tpu.vector_store %arg14[%swap3A_94, %swap3A_95], %broadcast_in_dim3A_93 {strides = array<i32>} : memref<128x128xf32, #tpu.memory_space<vmem>>, vector<16xf32>,
      %scan3A_97 = arith.constant 0 : i32
      scf.yield %scan3A_97 : i32
    }
    %scan3A_6 = arith.constant 128 : i32
    %mul3A_7 = arith.constant 640 : i32
    %mul3A_8 = arith.muli %arg1, %mul3A_7 : i32
    %add3A_9 = arith.constant 0 : i32
    %add3A_10 = arith.addi %mul3A_8, %add3A_9 : i32
    "tpu.region"() ({
      %run_scoped3A = tpu.sem_alloc : memref<!tpu.dma_semaphore, #tpu.memory_space<semaphore_mem>>
      %dma_start3A = arith.constant 0 : i32
      %dma_start3A_57 = tpu.memref_slice %arg15[%add3A_10, %dma_start3A] : memref<10240x128xf32, #tpu.memory_space<vmem_shared>> -> memref<128x128xf32, #tpu.memory_space<vmem_shared>>
      %dma_start3A_58 = arith.constant 0 : i32
      %dma_start3A_59 = tpu.memref_slice %arg15[%add3A_10, %dma_start3A_58] : memref<10240x128xf32, #tpu.memory_space<vmem_shared>> -> memref<128x128xf32, #tpu.memory_space<vmem_shared>>
      tpu.enqueue_dma source(%arg14 : memref<128x128xf32, #tpu.memory_space<vmem>>) target(%dma_start3A_59 : memref<128x128xf32, #tpu.memory_space<vmem_shared>>) target_semaphore(%run_scoped3A : memref<!tpu.dma_semaphore, #tpu.memory_space<semaphore_mem>>)
      %dma_wait3A = arith.constant 0 : i32
      %dma_wait3A_60 = tpu.memref_slice %arg15[%add3A_10, %dma_wait3A] : memref<10240x128xf32, #tpu.memory_space<vmem_shared>> -> memref<128x128xf32, #tpu.memory_space<vmem_shared>>
      %dma_wait3A_61 = arith.constant 0 : i32
      %dma_wait3A_62 = tpu.memref_slice %arg15[%add3A_10, %dma_wait3A_61] : memref<10240x128xf32, #tpu.memory_space<vmem_shared>> -> memref<128x128xf32, #tpu.memory_space<vmem_shared>>
      tpu.wait_dma2 semaphore(%run_scoped3A : memref<!tpu.dma_semaphore, #tpu.memory_space<semaphore_mem>>) src(%arg14 : memref<128x128xf32, #tpu.memory_space<vmem>>) dst(%dma_wait3A_62 : memref<128x128xf32, #tpu.memory_space<vmem_shared>>)
      tpu.yield
    }) : () -> ()
    %mul3A_11 = arith.constant 640 : i32
    %mul3A_12 = arith.muli %arg1, %mul3A_11 : i32
    %add3A_13 = arith.constant 128 : i32
    %add3A_14 = arith.addi %mul3A_12, %add3A_13 : i32
    "tpu.region"() ({
      %run_scoped3A = tpu.sem_alloc : memref<!tpu.dma_semaphore, #tpu.memory_space<semaphore_mem>>
      %dma_start3A = arith.constant 0 : i32
      %dma_start3A_57 = tpu.memref_slice %arg15[%add3A_14, %dma_start3A] : memref<10240x128xf32, #tpu.memory_space<vmem_shared>> -> memref<128x128xf32, #tpu.memory_space<vmem_shared>>
      %dma_start3A_58 = arith.constant 0 : i32
      %dma_start3A_59 = tpu.memref_slice %arg15[%add3A_14, %dma_start3A_58] : memref<10240x128xf32, #tpu.memory_space<vmem_shared>> -> memref<128x128xf32, #tpu.memory_space<vmem_shared>>
      tpu.enqueue_dma source(%arg14 : memref<128x128xf32, #tpu.memory_space<vmem>>) target(%dma_start3A_59 : memref<128x128xf32, #tpu.memory_space<vmem_shared>>) target_semaphore(%run_scoped3A : memref<!tpu.dma_semaphore, #tpu.memory_space<semaphore_mem>>)
      %dma_wait3A = arith.constant 0 : i32
      %dma_wait3A_60 = tpu.memref_slice %arg15[%add3A_14, %dma_wait3A] : memref<10240x128xf32, #tpu.memory_space<vmem_shared>> -> memref<128x128xf32, #tpu.memory_space<vmem_shared>>
      %dma_wait3A_61 = arith.constant 0 : i32
      %dma_wait3A_62 = tpu.memref_slice %arg15[%add3A_14, %dma_wait3A_61] : memref<10240x128xf32, #tpu.memory_space<vmem_shared>> -> memref<128x128xf32, #tpu.memory_space<vmem_shared>>
      tpu.wait_dma2 semaphore(%run_scoped3A : memref<!tpu.dma_semaphore, #tpu.memory_space<semaphore_mem>>) src(%arg14 : memref<128x128xf32, #tpu.memory_space<vmem>>) dst(%dma_wait3A_62 : memref<128x128xf32, #tpu.memory_space<vmem_shared>>)
      tpu.yield
    }) : () -> ()
    %mul3A_15 = arith.constant 640 : i32
    %mul3A_16 = arith.muli %arg1, %mul3A_15 : i32
    %add3A_17 = arith.constant 256 : i32
    %add3A_18 = arith.addi %mul3A_16, %add3A_17 : i32
    "tpu.region"() ({
      %run_scoped3A = tpu.sem_alloc : memref<!tpu.dma_semaphore, #tpu.memory_space<semaphore_mem>>
      %dma_start3A = arith.constant 0 : i32
      %dma_start3A_57 = tpu.memref_slice %arg15[%add3A_18, %dma_start3A] : memref<10240x128xf32, #tpu.memory_space<vmem_shared>> -> memref<128x128xf32, #tpu.memory_space<vmem_shared>>
      %dma_start3A_58 = arith.constant 0 : i32
      %dma_start3A_59 = tpu.memref_slice %arg15[%add3A_18, %dma_start3A_58] : memref<10240x128xf32, #tpu.memory_space<vmem_shared>> -> memref<128x128xf32, #tpu.memory_space<vmem_shared>>
      tpu.enqueue_dma source(%arg14 : memref<128x128xf32, #tpu.memory_space<vmem>>) target(%dma_start3A_59 : memref<128x128xf32, #tpu.memory_space<vmem_shared>>) target_semaphore(%run_scoped3A : memref<!tpu.dma_semaphore, #tpu.memory_space<semaphore_mem>>)
      %dma_wait3A = arith.constant 0 : i32
      %dma_wait3A_60 = tpu.memref_slice %arg15[%add3A_18, %dma_wait3A] : memref<10240x128xf32, #tpu.memory_space<vmem_shared>> -> memref<128x128xf32, #tpu.memory_space<vmem_shared>>
      %dma_wait3A_61 = arith.constant 0 : i32
      %dma_wait3A_62 = tpu.memref_slice %arg15[%add3A_18, %dma_wait3A_61] : memref<10240x128xf32, #tpu.memory_space<vmem_shared>> -> memref<128x128xf32, #tpu.memory_space<vmem_shared>>
      tpu.wait_dma2 semaphore(%run_scoped3A : memref<!tpu.dma_semaphore, #tpu.memory_space<semaphore_mem>>) src(%arg14 : memref<128x128xf32, #tpu.memory_space<vmem>>) dst(%dma_wait3A_62 : memref<128x128xf32, #tpu.memory_space<vmem_shared>>)
      tpu.yield
    }) : () -> ()
    %mul3A_19 = arith.constant 640 : i32
    %mul3A_20 = arith.muli %arg1, %mul3A_19 : i32
    %add3A_21 = arith.constant 384 : i32
    %add3A_22 = arith.addi %mul3A_20, %add3A_21 : i32
    "tpu.region"() ({
      %run_scoped3A = tpu.sem_alloc : memref<!tpu.dma_semaphore, #tpu.memory_space<semaphore_mem>>
      %dma_start3A = arith.constant 0 : i32
      %dma_start3A_57 = tpu.memref_slice %arg15[%add3A_22, %dma_start3A] : memref<10240x128xf32, #tpu.memory_space<vmem_shared>> -> memref<128x128xf32, #tpu.memory_space<vmem_shared>>
      %dma_start3A_58 = arith.constant 0 : i32
      %dma_start3A_59 = tpu.memref_slice %arg15[%add3A_22, %dma_start3A_58] : memref<10240x128xf32, #tpu.memory_space<vmem_shared>> -> memref<128x128xf32, #tpu.memory_space<vmem_shared>>
      tpu.enqueue_dma source(%arg14 : memref<128x128xf32, #tpu.memory_space<vmem>>) target(%dma_start3A_59 : memref<128x128xf32, #tpu.memory_space<vmem_shared>>) target_semaphore(%run_scoped3A : memref<!tpu.dma_semaphore, #tpu.memory_space<semaphore_mem>>)
      %dma_wait3A = arith.constant 0 : i32
      %dma_wait3A_60 = tpu.memref_slice %arg15[%add3A_22, %dma_wait3A] : memref<10240x128xf32, #tpu.memory_space<vmem_shared>> -> memref<128x128xf32, #tpu.memory_space<vmem_shared>>
      %dma_wait3A_61 = arith.constant 0 : i32
      %dma_wait3A_62 = tpu.memref_slice %arg15[%add3A_22, %dma_wait3A_61] : memref<10240x128xf32, #tpu.memory_space<vmem_shared>> -> memref<128x128xf32, #tpu.memory_space<vmem_shared>>
      tpu.wait_dma2 semaphore(%run_scoped3A : memref<!tpu.dma_semaphore, #tpu.memory_space<semaphore_mem>>) src(%arg14 : memref<128x128xf32, #tpu.memory_space<vmem>>) dst(%dma_wait3A_62 : memref<128x128xf32, #tpu.memory_space<vmem_shared>>)
      tpu.yield
    }) : () -> ()
    %mul3A_23 = arith.constant 640 : i32
    %mul3A_24 = arith.muli %arg1, %mul3A_23 : i32
    %add3A_25 = arith.constant 512 : i32
    %add3A_26 = arith.addi %mul3A_24, %add3A_25 : i32
    "tpu.region"() ({
      %run_scoped3A = tpu.sem_alloc : memref<!tpu.dma_semaphore, #tpu.memory_space<semaphore_mem>>
      %dma_start3A = arith.constant 0 : i32
      %dma_start3A_57 = tpu.memref_slice %arg15[%add3A_26, %dma_start3A] : memref<10240x128xf32, #tpu.memory_space<vmem_shared>> -> memref<128x128xf32, #tpu.memory_space<vmem_shared>>
      %dma_start3A_58 = arith.constant 0 : i32
      %dma_start3A_59 = tpu.memref_slice %arg15[%add3A_26, %dma_start3A_58] : memref<10240x128xf32, #tpu.memory_space<vmem_shared>> -> memref<128x128xf32, #tpu.memory_space<vmem_shared>>
      tpu.enqueue_dma source(%arg14 : memref<128x128xf32, #tpu.memory_space<vmem>>) target(%dma_start3A_59 : memref<128x128xf32, #tpu.memory_space<vmem_shared>>) target_semaphore(%run_scoped3A : memref<!tpu.dma_semaphore, #tpu.memory_space<semaphore_mem>>)
      %dma_wait3A = arith.constant 0 : i32
      %dma_wait3A_60 = tpu.memref_slice %arg15[%add3A_26, %dma_wait3A] : memref<10240x128xf32, #tpu.memory_space<vmem_shared>> -> memref<128x128xf32, #tpu.memory_space<vmem_shared>>
      %dma_wait3A_61 = arith.constant 0 : i32
      %dma_wait3A_62 = tpu.memref_slice %arg15[%add3A_26, %dma_wait3A_61] : memref<10240x128xf32, #tpu.memory_space<vmem_shared>> -> memref<128x128xf32, #tpu.memory_space<vmem_shared>>
      tpu.wait_dma2 semaphore(%run_scoped3A : memref<!tpu.dma_semaphore, #tpu.memory_space<semaphore_mem>>) src(%arg14 : memref<128x128xf32, #tpu.memory_space<vmem>>) dst(%dma_wait3A_62 : memref<128x128xf32, #tpu.memory_space<vmem_shared>>)
      tpu.yield
    }) : () -> ()
    %barrier3A = arith.constant 0 : index
    tpu.barrier barrier_id(%barrier3A)
    %mul3A_27 = arith.constant 10112 : i32
    %mul3A_28 = arith.muli %add3A, %mul3A_27 : i32
    %scan3A_29 = arith.constant 0 : i32
    %scan3A_30 = arith.constant 0 : i32
    %scan3A_31 = arith.constant 79 : i32
    %scan3A_32 = arith.addi %scan3A_30, %scan3A_31 : i32
    %scan3A_33 = arith.constant 1 : i32
    %scan3A_34 = scf.for %scan3A_57 = %scan3A_30 to %scan3A_32 step %scan3A_33 iter_args(%scan3A_58 = %scan3A_29) -> (i32)  : i32 {
      %mul3A_59 = arith.constant 128 : i32
      %mul3A_60 = arith.muli %scan3A_57, %mul3A_59 : i32
      %add3A_61 = arith.addi %mul3A_28, %mul3A_60 : i32
      "tpu.region"() ({
        %run_scoped3A = tpu.sem_alloc : memref<!tpu.dma_semaphore, #tpu.memory_space<semaphore_mem>>
        %dma_start3A_152 = tpu.memref_slice %arg3[%add3A_61] : memref<323584xi32, #tpu.memory_space<hbm>> -> memref<128xi32, #tpu.memory_space<hbm>>
        %dma_start3A_153 = tpu.memref_slice %arg3[%add3A_61] : memref<323584xi32, #tpu.memory_space<hbm>> -> memref<128xi32, #tpu.memory_space<hbm>>
        tpu.enqueue_dma source(%dma_start3A_153 : memref<128xi32, #tpu.memory_space<hbm>>) target(%arg8 : memref<128xi32, #tpu.memory_space<vmem>>) target_semaphore(%run_scoped3A : memref<!tpu.dma_semaphore, #tpu.memory_space<semaphore_mem>>)
        %dma_wait3A_154 = tpu.memref_slice %arg3[%add3A_61] : memref<323584xi32, #tpu.memory_space<hbm>> -> memref<128xi32, #tpu.memory_space<hbm>>
        %dma_wait3A_155 = tpu.memref_slice %arg3[%add3A_61] : memref<323584xi32, #tpu.memory_space<hbm>> -> memref<128xi32, #tpu.memory_space<hbm>>
        tpu.wait_dma2 semaphore(%run_scoped3A : memref<!tpu.dma_semaphore, #tpu.memory_space<semaphore_mem>>) src(%dma_wait3A_155 : memref<128xi32, #tpu.memory_space<hbm>>) dst(%arg8 : memref<128xi32, #tpu.memory_space<vmem>>)
        tpu.yield
      }) : () -> ()
      "tpu.region"() ({
        %run_scoped3A = tpu.sem_alloc : memref<!tpu.dma_semaphore, #tpu.memory_space<semaphore_mem>>
        %dma_start3A_152 = tpu.memref_slice %arg4[%add3A_61] : memref<323584xi32, #tpu.memory_space<hbm>> -> memref<128xi32, #tpu.memory_space<hbm>>
        %dma_start3A_153 = tpu.memref_slice %arg4[%add3A_61] : memref<323584xi32, #tpu.memory_space<hbm>> -> memref<128xi32, #tpu.memory_space<hbm>>
        tpu.enqueue_dma source(%dma_start3A_153 : memref<128xi32, #tpu.memory_space<hbm>>) target(%arg9 : memref<128xi32, #tpu.memory_space<vmem>>) target_semaphore(%run_scoped3A : memref<!tpu.dma_semaphore, #tpu.memory_space<semaphore_mem>>)
        %dma_wait3A_154 = tpu.memref_slice %arg4[%add3A_61] : memref<323584xi32, #tpu.memory_space<hbm>> -> memref<128xi32, #tpu.memory_space<hbm>>
        %dma_wait3A_155 = tpu.memref_slice %arg4[%add3A_61] : memref<323584xi32, #tpu.memory_space<hbm>> -> memref<128xi32, #tpu.memory_space<hbm>>
        tpu.wait_dma2 semaphore(%run_scoped3A : memref<!tpu.dma_semaphore, #tpu.memory_space<semaphore_mem>>) src(%dma_wait3A_155 : memref<128xi32, #tpu.memory_space<hbm>>) dst(%arg9 : memref<128xi32, #tpu.memory_space<vmem>>)
        tpu.yield
      }) : () -> ()
      "tpu.region"() ({
        %run_scoped3A = tpu.sem_alloc : memref<!tpu.dma_semaphore, #tpu.memory_space<semaphore_mem>>
        %dma_start3A_152 = tpu.memref_slice %arg5[%add3A_61] : memref<323584xi32, #tpu.memory_space<hbm>> -> memref<128xi32, #tpu.memory_space<hbm>>
        %dma_start3A_153 = tpu.memref_slice %arg5[%add3A_61] : memref<323584xi32, #tpu.memory_space<hbm>> -> memref<128xi32, #tpu.memory_space<hbm>>
        tpu.enqueue_dma source(%dma_start3A_153 : memref<128xi32, #tpu.memory_space<hbm>>) target(%arg10 : memref<128xi32, #tpu.memory_space<vmem>>) target_semaphore(%run_scoped3A : memref<!tpu.dma_semaphore, #tpu.memory_space<semaphore_mem>>)
        %dma_wait3A_154 = tpu.memref_slice %arg5[%add3A_61] : memref<323584xi32, #tpu.memory_space<hbm>> -> memref<128xi32, #tpu.memory_space<hbm>>
        %dma_wait3A_155 = tpu.memref_slice %arg5[%add3A_61] : memref<323584xi32, #tpu.memory_space<hbm>> -> memref<128xi32, #tpu.memory_space<hbm>>
        tpu.wait_dma2 semaphore(%run_scoped3A : memref<!tpu.dma_semaphore, #tpu.memory_space<semaphore_mem>>) src(%dma_wait3A_155 : memref<128xi32, #tpu.memory_space<hbm>>) dst(%arg10 : memref<128xi32, #tpu.memory_space<vmem>>)
        tpu.yield
      }) : () -> ()
      "tpu.region"() ({
        %run_scoped3A = tpu.sem_alloc : memref<!tpu.dma_semaphore, #tpu.memory_space<semaphore_mem>>
        %dma_start3A_152 = tpu.memref_slice %arg6[%add3A_61] : memref<323584xf32, #tpu.memory_space<hbm>> -> memref<128xf32, #tpu.memory_space<hbm>>
        %dma_start3A_153 = tpu.memref_slice %arg6[%add3A_61] : memref<323584xf32, #tpu.memory_space<hbm>> -> memref<128xf32, #tpu.memory_space<hbm>>
        tpu.enqueue_dma source(%dma_start3A_153 : memref<128xf32, #tpu.memory_space<hbm>>) target(%arg11 : memref<128xf32, #tpu.memory_space<vmem>>) target_semaphore(%run_scoped3A : memref<!tpu.dma_semaphore, #tpu.memory_space<semaphore_mem>>)
        %dma_wait3A_154 = tpu.memref_slice %arg6[%add3A_61] : memref<323584xf32, #tpu.memory_space<hbm>> -> memref<128xf32, #tpu.memory_space<hbm>>
        %dma_wait3A_155 = tpu.memref_slice %arg6[%add3A_61] : memref<323584xf32, #tpu.memory_space<hbm>> -> memref<128xf32, #tpu.memory_space<hbm>>
        tpu.wait_dma2 semaphore(%run_scoped3A : memref<!tpu.dma_semaphore, #tpu.memory_space<semaphore_mem>>) src(%dma_wait3A_155 : memref<128xf32, #tpu.memory_space<hbm>>) dst(%arg11 : memref<128xf32, #tpu.memory_space<vmem>>)
        tpu.yield
      }) : () -> ()
      %get3A = arith.constant 0 : index
      %get3A_62 = tpu.vector_load %arg8[%get3A] {strides = array<i32>} : memref<128xi32, #tpu.memory_space<vmem>>, vector<16xi32>,
      %mul3A_63 = arith.constant 16 : i32
      %mul3A_64 = vector.broadcast %mul3A_63 : i32 to vector<16xi32>
      %mul3A_65 = arith.muli %get3A_62, %mul3A_64 : vector<16xi32>
      %get3A_66 = arith.constant 0 : index
      %get3A_67 = tpu.vector_load %arg9[%get3A_66] {strides = array<i32>} : memref<128xi32, #tpu.memory_space<vmem>>, vector<16xi32>,
      %add3A_68 = arith.addi %mul3A_65, %get3A_67 : vector<16xi32>
      %swap3A = arith.constant 0 : index
      %swap3A_69 = tpu.vector_load %arg12[%swap3A] {strides = array<i32>} : memref<128xi32, #tpu.memory_space<vmem>>, vector<16xi32>,
      tpu.vector_store %arg12[%swap3A], %add3A_68 {strides = array<i32>} : memref<128xi32, #tpu.memory_space<vmem>>, vector<16xi32>,
      %get3A_70 = arith.constant 16 : index
      %get3A_71 = tpu.vector_load %arg8[%get3A_70] {strides = array<i32>} : memref<128xi32, #tpu.memory_space<vmem>>, vector<16xi32>,
      %mul3A_72 = arith.constant 16 : i32
      %mul3A_73 = vector.broadcast %mul3A_72 : i32 to vector<16xi32>
      %mul3A_74 = arith.muli %get3A_71, %mul3A_73 : vector<16xi32>
      %get3A_75 = arith.constant 16 : index
      %get3A_76 = tpu.vector_load %arg9[%get3A_75] {strides = array<i32>} : memref<128xi32, #tpu.memory_space<vmem>>, vector<16xi32>,
      %add3A_77 = arith.addi %mul3A_74, %get3A_76 : vector<16xi32>
      %swap3A_78 = arith.constant 16 : index
      %swap3A_79 = tpu.vector_load %arg12[%swap3A_78] {strides = array<i32>} : memref<128xi32, #tpu.memory_space<vmem>>, vector<16xi32>,
      tpu.vector_store %arg12[%swap3A_78], %add3A_77 {strides = array<i32>} : memref<128xi32, #tpu.memory_space<vmem>>, vector<16xi32>,
      %get3A_80 = arith.constant 32 : index
      %get3A_81 = tpu.vector_load %arg8[%get3A_80] {strides = array<i32>} : memref<128xi32, #tpu.memory_space<vmem>>, vector<16xi32>,
      %mul3A_82 = arith.constant 16 : i32
      %mul3A_83 = vector.broadcast %mul3A_82 : i32 to vector<16xi32>
      %mul3A_84 = arith.muli %get3A_81, %mul3A_83 : vector<16xi32>
      %get3A_85 = arith.constant 32 : index
      %get3A_86 = tpu.vector_load %arg9[%get3A_85] {strides = array<i32>} : memref<128xi32, #tpu.memory_space<vmem>>, vector<16xi32>,
      %add3A_87 = arith.addi %mul3A_84, %get3A_86 : vector<16xi32>
      %swap3A_88 = arith.constant 32 : index
      %swap3A_89 = tpu.vector_load %arg12[%swap3A_88] {strides = array<i32>} : memref<128xi32, #tpu.memory_space<vmem>>, vector<16xi32>,
      tpu.vector_store %arg12[%swap3A_88], %add3A_87 {strides = array<i32>} : memref<128xi32, #tpu.memory_space<vmem>>, vector<16xi32>,
      %get3A_90 = arith.constant 48 : index
      %get3A_91 = tpu.vector_load %arg8[%get3A_90] {strides = array<i32>} : memref<128xi32, #tpu.memory_space<vmem>>, vector<16xi32>,
      %mul3A_92 = arith.constant 16 : i32
      %mul3A_93 = vector.broadcast %mul3A_92 : i32 to vector<16xi32>
      %mul3A_94 = arith.muli %get3A_91, %mul3A_93 : vector<16xi32>
      %get3A_95 = arith.constant 48 : index
      %get3A_96 = tpu.vector_load %arg9[%get3A_95] {strides = array<i32>} : memref<128xi32, #tpu.memory_space<vmem>>, vector<16xi32>,
      %add3A_97 = arith.addi %mul3A_94, %get3A_96 : vector<16xi32>
      %swap3A_98 = arith.constant 48 : index
      %swap3A_99 = tpu.vector_load %arg12[%swap3A_98] {strides = array<i32>} : memref<128xi32, #tpu.memory_space<vmem>>, vector<16xi32>,
      tpu.vector_store %arg12[%swap3A_98], %add3A_97 {strides = array<i32>} : memref<128xi32, #tpu.memory_space<vmem>>, vector<16xi32>,
      %get3A_100 = arith.constant 64 : index
      %get3A_101 = tpu.vector_load %arg8[%get3A_100] {strides = array<i32>} : memref<128xi32, #tpu.memory_space<vmem>>, vector<16xi32>,
      %mul3A_102 = arith.constant 16 : i32
      %mul3A_103 = vector.broadcast %mul3A_102 : i32 to vector<16xi32>
      %mul3A_104 = arith.muli %get3A_101, %mul3A_103 : vector<16xi32>
      %get3A_105 = arith.constant 64 : index
      %get3A_106 = tpu.vector_load %arg9[%get3A_105] {strides = array<i32>} : memref<128xi32, #tpu.memory_space<vmem>>, vector<16xi32>,
      %add3A_107 = arith.addi %mul3A_104, %get3A_106 : vector<16xi32>
      %swap3A_108 = arith.constant 64 : index
      %swap3A_109 = tpu.vector_load %arg12[%swap3A_108] {strides = array<i32>} : memref<128xi32, #tpu.memory_space<vmem>>, vector<16xi32>,
      tpu.vector_store %arg12[%swap3A_108], %add3A_107 {strides = array<i32>} : memref<128xi32, #tpu.memory_space<vmem>>, vector<16xi32>,
      %get3A_110 = arith.constant 80 : index
      %get3A_111 = tpu.vector_load %arg8[%get3A_110] {strides = array<i32>} : memref<128xi32, #tpu.memory_space<vmem>>, vector<16xi32>,
      %mul3A_112 = arith.constant 16 : i32
      %mul3A_113 = vector.broadcast %mul3A_112 : i32 to vector<16xi32>
      %mul3A_114 = arith.muli %get3A_111, %mul3A_113 : vector<16xi32>
      %get3A_115 = arith.constant 80 : index
      %get3A_116 = tpu.vector_load %arg9[%get3A_115] {strides = array<i32>} : memref<128xi32, #tpu.memory_space<vmem>>, vector<16xi32>,
      %add3A_117 = arith.addi %mul3A_114, %get3A_116 : vector<16xi32>
      %swap3A_118 = arith.constant 80 : index
      %swap3A_119 = tpu.vector_load %arg12[%swap3A_118] {strides = array<i32>} : memref<128xi32, #tpu.memory_space<vmem>>, vector<16xi32>,
      tpu.vector_store %arg12[%swap3A_118], %add3A_117 {strides = array<i32>} : memref<128xi32, #tpu.memory_space<vmem>>, vector<16xi32>,
      %get3A_120 = arith.constant 96 : index
      %get3A_121 = tpu.vector_load %arg8[%get3A_120] {strides = array<i32>} : memref<128xi32, #tpu.memory_space<vmem>>, vector<16xi32>,
      %mul3A_122 = arith.constant 16 : i32
      %mul3A_123 = vector.broadcast %mul3A_122 : i32 to vector<16xi32>
      %mul3A_124 = arith.muli %get3A_121, %mul3A_123 : vector<16xi32>
      %get3A_125 = arith.constant 96 : index
      %get3A_126 = tpu.vector_load %arg9[%get3A_125] {strides = array<i32>} : memref<128xi32, #tpu.memory_space<vmem>>, vector<16xi32>,
      %add3A_127 = arith.addi %mul3A_124, %get3A_126 : vector<16xi32>
      %swap3A_128 = arith.constant 96 : index
      %swap3A_129 = tpu.vector_load %arg12[%swap3A_128] {strides = array<i32>} : memref<128xi32, #tpu.memory_space<vmem>>, vector<16xi32>,
      tpu.vector_store %arg12[%swap3A_128], %add3A_127 {strides = array<i32>} : memref<128xi32, #tpu.memory_space<vmem>>, vector<16xi32>,
      %get3A_130 = arith.constant 112 : index
      %get3A_131 = tpu.vector_load %arg8[%get3A_130] {strides = array<i32>} : memref<128xi32, #tpu.memory_space<vmem>>, vector<16xi32>,
      %mul3A_132 = arith.constant 16 : i32
      %mul3A_133 = vector.broadcast %mul3A_132 : i32 to vector<16xi32>
      %mul3A_134 = arith.muli %get3A_131, %mul3A_133 : vector<16xi32>
      %get3A_135 = arith.constant 112 : index
      %get3A_136 = tpu.vector_load %arg9[%get3A_135] {strides = array<i32>} : memref<128xi32, #tpu.memory_space<vmem>>, vector<16xi32>,
      %add3A_137 = arith.addi %mul3A_134, %get3A_136 : vector<16xi32>
      %swap3A_138 = arith.constant 112 : index
      %swap3A_139 = tpu.vector_load %arg12[%swap3A_138] {strides = array<i32>} : memref<128xi32, #tpu.memory_space<vmem>>, vector<16xi32>,
      tpu.vector_store %arg12[%swap3A_138], %add3A_137 {strides = array<i32>} : memref<128xi32, #tpu.memory_space<vmem>>, vector<16xi32>,
      %dma_start3A = arith.constant 0 : i32
      %dma_start3A_140 = arith.constant 0 : i32
      %dma_start3A_141 = tpu.memref_slice %arg2[%dma_start3A, %dma_start3A_140] : memref<160000x128xf32, #tpu.memory_space<hbm>> -> memref<160000x128xf32, #tpu.memory_space<hbm>>
      tpu.enqueue_indirect_dma source(%dma_start3A_141 : memref<160000x128xf32, #tpu.memory_space<hbm>>) target(%arg13 : memref<128x128xf32, #tpu.memory_space<vmem>>) offsets(%arg12 : memref<128xi32, #tpu.memory_space<vmem>>) semaphore(%arg16 : memref<!tpu.dma_semaphore, #tpu.memory_space<semaphore_mem>>)
      %dma_wait3A = arith.constant 0 : i32
      %dma_wait3A_142 = arith.constant 0 : i32
      %dma_wait3A_143 = tpu.memref_slice %arg2[%dma_wait3A, %dma_wait3A_142] : memref<160000x128xf32, #tpu.memory_space<hbm>> -> memref<160000x128xf32, #tpu.memory_space<hbm>>
      tpu.wait_indirect_dma semaphore(%arg16 : memref<!tpu.dma_semaphore, #tpu.memory_space<semaphore_mem>>) src(%dma_wait3A_143 : memref<160000x128xf32, #tpu.memory_space<hbm>>) dst(%arg13 : memref<128x128xf32, #tpu.memory_space<vmem>>)
      %scan3A_144 = arith.constant 0 : i32
      %scan3A_145 = arith.constant 0 : i32
      %scan3A_146 = arith.constant 128 : i32
      %scan3A_147 = arith.addi %scan3A_145, %scan3A_146 : i32
      %scan3A_148 = arith.constant 1 : i32
      %scan3A_149 = scf.for %scan3A_152 = %scan3A_145 to %scan3A_147 step %scan3A_148 iter_args(%scan3A_153 = %scan3A_144) -> (i32)  : i32 {
        %broadcast_in_dim3A = arith.constant 0 : i32
        %broadcast_in_dim3A_154 = vector.broadcast %broadcast_in_dim3A : i32 to vector<16xi32>
        %add3A_155 = vector.broadcast %scan3A_152 : i32 to vector<16xi32>
        %add3A_156 = arith.addi %broadcast_in_dim3A_154, %add3A_155 : vector<16xi32>
        %gather3A = tpu.vector_load_idx %arg11[%add3A_156] : memref<128xf32, #tpu.memory_space<vmem>>[vector<16xi32>], vector<16xf32>,
        %get3A_157 = arith.index_cast %scan3A_152 : i32 to index
        %get3A_158 = arith.constant 0 : index
        %get3A_159 = tpu.vector_load %arg13[%get3A_157, %get3A_158] {strides = array<i32>} : memref<128x128xf32, #tpu.memory_space<vmem>>, vector<16xf32>,
        %mul3A_160 = arith.mulf %get3A_159, %gather3A : vector<16xf32>
        %swap3A_161 = arith.index_cast %scan3A_152 : i32 to index
        %swap3A_162 = arith.constant 0 : index
        %swap3A_163 = tpu.vector_load %arg13[%swap3A_161, %swap3A_162] {strides = array<i32>} : memref<128x128xf32, #tpu.memory_space<vmem>>, vector<16xf32>,
        tpu.vector_store %arg13[%swap3A_161, %swap3A_162], %mul3A_160 {strides = array<i32>} : memref<128x128xf32, #tpu.memory_space<vmem>>, vector<16xf32>,
        %get3A_164 = arith.index_cast %scan3A_152 : i32 to index
        %get3A_165 = arith.constant 16 : index
        %get3A_166 = tpu.vector_load %arg13[%get3A_164, %get3A_165] {strides = array<i32>} : memref<128x128xf32, #tpu.memory_space<vmem>>, vector<16xf32>,
        %mul3A_167 = arith.mulf %get3A_166, %gather3A : vector<16xf32>
        %swap3A_168 = arith.index_cast %scan3A_152 : i32 to index
        %swap3A_169 = arith.constant 16 : index
        %swap3A_170 = tpu.vector_load %arg13[%swap3A_168, %swap3A_169] {strides = array<i32>} : memref<128x128xf32, #tpu.memory_space<vmem>>, vector<16xf32>,
        tpu.vector_store %arg13[%swap3A_168, %swap3A_169], %mul3A_167 {strides = array<i32>} : memref<128x128xf32, #tpu.memory_space<vmem>>, vector<16xf32>,
        %get3A_171 = arith.index_cast %scan3A_152 : i32 to index
        %get3A_172 = arith.constant 32 : index
        %get3A_173 = tpu.vector_load %arg13[%get3A_171, %get3A_172] {strides = array<i32>} : memref<128x128xf32, #tpu.memory_space<vmem>>, vector<16xf32>,
        %mul3A_174 = arith.mulf %get3A_173, %gather3A : vector<16xf32>
        %swap3A_175 = arith.index_cast %scan3A_152 : i32 to index
        %swap3A_176 = arith.constant 32 : index
        %swap3A_177 = tpu.vector_load %arg13[%swap3A_175, %swap3A_176] {strides = array<i32>} : memref<128x128xf32, #tpu.memory_space<vmem>>, vector<16xf32>,
        tpu.vector_store %arg13[%swap3A_175, %swap3A_176], %mul3A_174 {strides = array<i32>} : memref<128x128xf32, #tpu.memory_space<vmem>>, vector<16xf32>,
        %get3A_178 = arith.index_cast %scan3A_152 : i32 to index
        %get3A_179 = arith.constant 48 : index
        %get3A_180 = tpu.vector_load %arg13[%get3A_178, %get3A_179] {strides = array<i32>} : memref<128x128xf32, #tpu.memory_space<vmem>>, vector<16xf32>,
        %mul3A_181 = arith.mulf %get3A_180, %gather3A : vector<16xf32>
        %swap3A_182 = arith.index_cast %scan3A_152 : i32 to index
        %swap3A_183 = arith.constant 48 : index
        %swap3A_184 = tpu.vector_load %arg13[%swap3A_182, %swap3A_183] {strides = array<i32>} : memref<128x128xf32, #tpu.memory_space<vmem>>, vector<16xf32>,
        tpu.vector_store %arg13[%swap3A_182, %swap3A_183], %mul3A_181 {strides = array<i32>} : memref<128x128xf32, #tpu.memory_space<vmem>>, vector<16xf32>,
        %get3A_185 = arith.index_cast %scan3A_152 : i32 to index
        %get3A_186 = arith.constant 64 : index
        %get3A_187 = tpu.vector_load %arg13[%get3A_185, %get3A_186] {strides = array<i32>} : memref<128x128xf32, #tpu.memory_space<vmem>>, vector<16xf32>,
        %mul3A_188 = arith.mulf %get3A_187, %gather3A : vector<16xf32>
        %swap3A_189 = arith.index_cast %scan3A_152 : i32 to index
        %swap3A_190 = arith.constant 64 : index
        %swap3A_191 = tpu.vector_load %arg13[%swap3A_189, %swap3A_190] {strides = array<i32>} : memref<128x128xf32, #tpu.memory_space<vmem>>, vector<16xf32>,
        tpu.vector_store %arg13[%swap3A_189, %swap3A_190], %mul3A_188 {strides = array<i32>} : memref<128x128xf32, #tpu.memory_space<vmem>>, vector<16xf32>,
        %get3A_192 = arith.index_cast %scan3A_152 : i32 to index
        %get3A_193 = arith.constant 80 : index
        %get3A_194 = tpu.vector_load %arg13[%get3A_192, %get3A_193] {strides = array<i32>} : memref<128x128xf32, #tpu.memory_space<vmem>>, vector<16xf32>,
        %mul3A_195 = arith.mulf %get3A_194, %gather3A : vector<16xf32>
        %swap3A_196 = arith.index_cast %scan3A_152 : i32 to index
        %swap3A_197 = arith.constant 80 : index
        %swap3A_198 = tpu.vector_load %arg13[%swap3A_196, %swap3A_197] {strides = array<i32>} : memref<128x128xf32, #tpu.memory_space<vmem>>, vector<16xf32>,
        tpu.vector_store %arg13[%swap3A_196, %swap3A_197], %mul3A_195 {strides = array<i32>} : memref<128x128xf32, #tpu.memory_space<vmem>>, vector<16xf32>,
        %get3A_199 = arith.index_cast %scan3A_152 : i32 to index
        %get3A_200 = arith.constant 96 : index
        %get3A_201 = tpu.vector_load %arg13[%get3A_199, %get3A_200] {strides = array<i32>} : memref<128x128xf32, #tpu.memory_space<vmem>>, vector<16xf32>,
        %mul3A_202 = arith.mulf %get3A_201, %gather3A : vector<16xf32>
        %swap3A_203 = arith.index_cast %scan3A_152 : i32 to index
        %swap3A_204 = arith.constant 96 : index
        %swap3A_205 = tpu.vector_load %arg13[%swap3A_203, %swap3A_204] {strides = array<i32>} : memref<128x128xf32, #tpu.memory_space<vmem>>, vector<16xf32>,
        tpu.vector_store %arg13[%swap3A_203, %swap3A_204], %mul3A_202 {strides = array<i32>} : memref<128x128xf32, #tpu.memory_space<vmem>>, vector<16xf32>,
        %get3A_206 = arith.index_cast %scan3A_152 : i32 to index
        %get3A_207 = arith.constant 112 : index
        %get3A_208 = tpu.vector_load %arg13[%get3A_206, %get3A_207] {strides = array<i32>} : memref<128x128xf32, #tpu.memory_space<vmem>>, vector<16xf32>,
        %mul3A_209 = arith.mulf %get3A_208, %gather3A : vector<16xf32>
        %swap3A_210 = arith.index_cast %scan3A_152 : i32 to index
        %swap3A_211 = arith.constant 112 : index
        %swap3A_212 = tpu.vector_load %arg13[%swap3A_210, %swap3A_211] {strides = array<i32>} : memref<128x128xf32, #tpu.memory_space<vmem>>, vector<16xf32>,
        tpu.vector_store %arg13[%swap3A_210, %swap3A_211], %mul3A_209 {strides = array<i32>} : memref<128x128xf32, #tpu.memory_space<vmem>>, vector<16xf32>,
        %scan3A_213 = arith.constant 0 : i32
        scf.yield %scan3A_213 : i32
      }
      %scan3A_150 = arith.constant 128 : i32
      "tpu.region"() ({
        %run_scoped3A = tpu.sem_alloc : memref<!tpu.dma_semaphore, #tpu.memory_space<semaphore_mem>>
        %dma_start3A_152 = arith.constant 0 : i32
        %dma_start3A_153 = arith.constant 0 : i32
        %dma_start3A_154 = tpu.memref_slice %arg15[%dma_start3A_152, %dma_start3A_153] : memref<10240x128xf32, #tpu.memory_space<vmem_shared>> -> memref<10240x128xf32, #tpu.memory_space<vmem_shared>>
        tpu.enqueue_indirect_dma source(%arg13 : memref<128x128xf32, #tpu.memory_space<vmem>>) target(%dma_start3A_154 : memref<10240x128xf32, #tpu.memory_space<vmem_shared>>) offsets(%arg10 : memref<128xi32, #tpu.memory_space<vmem>>) semaphore(%run_scoped3A : memref<!tpu.dma_semaphore, #tpu.memory_space<semaphore_mem>>) {add = true}
        %dma_wait3A_155 = arith.constant 0 : i32
        %dma_wait3A_156 = arith.constant 0 : i32
        %dma_wait3A_157 = tpu.memref_slice %arg15[%dma_wait3A_155, %dma_wait3A_156] : memref<10240x128xf32, #tpu.memory_space<vmem_shared>> -> memref<10240x128xf32, #tpu.memory_space<vmem_shared>>
        tpu.wait_indirect_dma semaphore(%run_scoped3A : memref<!tpu.dma_semaphore, #tpu.memory_space<semaphore_mem>>) src(%arg13 : memref<128x128xf32, #tpu.memory_space<vmem>>) dst(%dma_wait3A_157 : memref<10240x128xf32, #tpu.memory_space<vmem_shared>>)
        tpu.yield
      }) : () -> ()
      %scan3A_151 = arith.constant 0 : i32
      scf.yield %scan3A_151 : i32
    }
    %scan3A_35 = arith.constant 79 : i32
    %barrier3A_36 = arith.constant 0 : index
    tpu.barrier barrier_id(%barrier3A_36)
    %mul3A_37 = arith.constant 640 : i32
    %mul3A_38 = arith.muli %arg1, %mul3A_37 : i32
    %add3A_39 = arith.constant 0 : i32
    %add3A_40 = arith.addi %mul3A_38, %add3A_39 : i32
    "tpu.region"() ({
      %run_scoped3A = tpu.sem_alloc : memref<!tpu.dma_semaphore, #tpu.memory_space<semaphore_mem>>
      %dma_start3A = arith.constant 0 : i32
      %dma_start3A_57 = tpu.memref_slice %arg15[%add3A_40, %dma_start3A] : memref<10240x128xf32, #tpu.memory_space<vmem_shared>> -> memref<128x128xf32, #tpu.memory_space<vmem_shared>>
      %dma_start3A_58 = arith.constant 0 : i32
      %dma_start3A_59 = tpu.memref_slice %arg15[%add3A_40, %dma_start3A_58] : memref<10240x128xf32, #tpu.memory_space<vmem_shared>> -> memref<128x128xf32, #tpu.memory_space<vmem_shared>>
      tpu.enqueue_dma source(%dma_start3A_59 : memref<128x128xf32, #tpu.memory_space<vmem_shared>>) target(%arg14 : memref<128x128xf32, #tpu.memory_space<vmem>>) target_semaphore(%run_scoped3A : memref<!tpu.dma_semaphore, #tpu.memory_space<semaphore_mem>>)
      %dma_wait3A = arith.constant 0 : i32
      %dma_wait3A_60 = tpu.memref_slice %arg15[%add3A_40, %dma_wait3A] : memref<10240x128xf32, #tpu.memory_space<vmem_shared>> -> memref<128x128xf32, #tpu.memory_space<vmem_shared>>
      %dma_wait3A_61 = arith.constant 0 : i32
      %dma_wait3A_62 = tpu.memref_slice %arg15[%add3A_40, %dma_wait3A_61] : memref<10240x128xf32, #tpu.memory_space<vmem_shared>> -> memref<128x128xf32, #tpu.memory_space<vmem_shared>>
      tpu.wait_dma2 semaphore(%run_scoped3A : memref<!tpu.dma_semaphore, #tpu.memory_space<semaphore_mem>>) src(%dma_wait3A_62 : memref<128x128xf32, #tpu.memory_space<vmem_shared>>) dst(%arg14 : memref<128x128xf32, #tpu.memory_space<vmem>>)
      tpu.yield
    }) : () -> ()
    "tpu.region"() ({
      %run_scoped3A = tpu.sem_alloc : memref<!tpu.dma_semaphore, #tpu.memory_space<semaphore_mem>>
      %dma_start3A = arith.constant 0 : i32
      %dma_start3A_57 = tpu.memref_slice %arg7[%arg0, %add3A_40, %dma_start3A] : memref<2x10240x128xf32, #tpu.memory_space<hbm>> -> memref<1x128x128xf32, #tpu.memory_space<hbm>>
      %dma_start3A_58 = tpu.memref_squeeze %dma_start3A_57 : memref<1x128x128xf32, #tpu.memory_space<hbm>> -> memref<128x128xf32, #tpu.memory_space<hbm>>
      %dma_start3A_59 = arith.constant 0 : i32
      %dma_start3A_60 = tpu.memref_slice %arg7[%arg0, %add3A_40, %dma_start3A_59] : memref<2x10240x128xf32, #tpu.memory_space<hbm>> -> memref<1x128x128xf32, #tpu.memory_space<hbm>>
      %dma_start3A_61 = tpu.memref_squeeze %dma_start3A_60 : memref<1x128x128xf32, #tpu.memory_space<hbm>> -> memref<128x128xf32, #tpu.memory_space<hbm>>
      tpu.enqueue_dma source(%arg14 : memref<128x128xf32, #tpu.memory_space<vmem>>) target(%dma_start3A_61 : memref<128x128xf32, #tpu.memory_space<hbm>>) target_semaphore(%run_scoped3A : memref<!tpu.dma_semaphore, #tpu.memory_space<semaphore_mem>>)
      %dma_wait3A = arith.constant 0 : i32
      %dma_wait3A_62 = tpu.memref_slice %arg7[%arg0, %add3A_40, %dma_wait3A] : memref<2x10240x128xf32, #tpu.memory_space<hbm>> -> memref<1x128x128xf32, #tpu.memory_space<hbm>>
      %dma_wait3A_63 = tpu.memref_squeeze %dma_wait3A_62 : memref<1x128x128xf32, #tpu.memory_space<hbm>> -> memref<128x128xf32, #tpu.memory_space<hbm>>
      %dma_wait3A_64 = arith.constant 0 : i32
      %dma_wait3A_65 = tpu.memref_slice %arg7[%arg0, %add3A_40, %dma_wait3A_64] : memref<2x10240x128xf32, #tpu.memory_space<hbm>> -> memref<1x128x128xf32, #tpu.memory_space<hbm>>
      %dma_wait3A_66 = tpu.memref_squeeze %dma_wait3A_65 : memref<1x128x128xf32, #tpu.memory_space<hbm>> -> memref<128x128xf32, #tpu.memory_space<hbm>>
      tpu.wait_dma2 semaphore(%run_scoped3A : memref<!tpu.dma_semaphore, #tpu.memory_space<semaphore_mem>>) src(%arg14 : memref<128x128xf32, #tpu.memory_space<vmem>>) dst(%dma_wait3A_66 : memref<128x128xf32, #tpu.memory_space<hbm>>)
      tpu.yield
    }) : () -> ()
    %mul3A_41 = arith.constant 640 : i32
    %mul3A_42 = arith.muli %arg1, %mul3A_41 : i32
    %add3A_43 = arith.constant 128 : i32
    %add3A_44 = arith.addi %mul3A_42, %add3A_43 : i32
    "tpu.region"() ({
      %run_scoped3A = tpu.sem_alloc : memref<!tpu.dma_semaphore, #tpu.memory_space<semaphore_mem>>
      %dma_start3A = arith.constant 0 : i32
      %dma_start3A_57 = tpu.memref_slice %arg15[%add3A_44, %dma_start3A] : memref<10240x128xf32, #tpu.memory_space<vmem_shared>> -> memref<128x128xf32, #tpu.memory_space<vmem_shared>>
      %dma_start3A_58 = arith.constant 0 : i32
      %dma_start3A_59 = tpu.memref_slice %arg15[%add3A_44, %dma_start3A_58] : memref<10240x128xf32, #tpu.memory_space<vmem_shared>> -> memref<128x128xf32, #tpu.memory_space<vmem_shared>>
      tpu.enqueue_dma source(%dma_start3A_59 : memref<128x128xf32, #tpu.memory_space<vmem_shared>>) target(%arg14 : memref<128x128xf32, #tpu.memory_space<vmem>>) target_semaphore(%run_scoped3A : memref<!tpu.dma_semaphore, #tpu.memory_space<semaphore_mem>>)
      %dma_wait3A = arith.constant 0 : i32
      %dma_wait3A_60 = tpu.memref_slice %arg15[%add3A_44, %dma_wait3A] : memref<10240x128xf32, #tpu.memory_space<vmem_shared>> -> memref<128x128xf32, #tpu.memory_space<vmem_shared>>
      %dma_wait3A_61 = arith.constant 0 : i32
      %dma_wait3A_62 = tpu.memref_slice %arg15[%add3A_44, %dma_wait3A_61] : memref<10240x128xf32, #tpu.memory_space<vmem_shared>> -> memref<128x128xf32, #tpu.memory_space<vmem_shared>>
      tpu.wait_dma2 semaphore(%run_scoped3A : memref<!tpu.dma_semaphore, #tpu.memory_space<semaphore_mem>>) src(%dma_wait3A_62 : memref<128x128xf32, #tpu.memory_space<vmem_shared>>) dst(%arg14 : memref<128x128xf32, #tpu.memory_space<vmem>>)
      tpu.yield
    }) : () -> ()
    "tpu.region"() ({
      %run_scoped3A = tpu.sem_alloc : memref<!tpu.dma_semaphore, #tpu.memory_space<semaphore_mem>>
      %dma_start3A = arith.constant 0 : i32
      %dma_start3A_57 = tpu.memref_slice %arg7[%arg0, %add3A_44, %dma_start3A] : memref<2x10240x128xf32, #tpu.memory_space<hbm>> -> memref<1x128x128xf32, #tpu.memory_space<hbm>>
      %dma_start3A_58 = tpu.memref_squeeze %dma_start3A_57 : memref<1x128x128xf32, #tpu.memory_space<hbm>> -> memref<128x128xf32, #tpu.memory_space<hbm>>
      %dma_start3A_59 = arith.constant 0 : i32
      %dma_start3A_60 = tpu.memref_slice %arg7[%arg0, %add3A_44, %dma_start3A_59] : memref<2x10240x128xf32, #tpu.memory_space<hbm>> -> memref<1x128x128xf32, #tpu.memory_space<hbm>>
      %dma_start3A_61 = tpu.memref_squeeze %dma_start3A_60 : memref<1x128x128xf32, #tpu.memory_space<hbm>> -> memref<128x128xf32, #tpu.memory_space<hbm>>
      tpu.enqueue_dma source(%arg14 : memref<128x128xf32, #tpu.memory_space<vmem>>) target(%dma_start3A_61 : memref<128x128xf32, #tpu.memory_space<hbm>>) target_semaphore(%run_scoped3A : memref<!tpu.dma_semaphore, #tpu.memory_space<semaphore_mem>>)
      %dma_wait3A = arith.constant 0 : i32
      %dma_wait3A_62 = tpu.memref_slice %arg7[%arg0, %add3A_44, %dma_wait3A] : memref<2x10240x128xf32, #tpu.memory_space<hbm>> -> memref<1x128x128xf32, #tpu.memory_space<hbm>>
      %dma_wait3A_63 = tpu.memref_squeeze %dma_wait3A_62 : memref<1x128x128xf32, #tpu.memory_space<hbm>> -> memref<128x128xf32, #tpu.memory_space<hbm>>
      %dma_wait3A_64 = arith.constant 0 : i32
      %dma_wait3A_65 = tpu.memref_slice %arg7[%arg0, %add3A_44, %dma_wait3A_64] : memref<2x10240x128xf32, #tpu.memory_space<hbm>> -> memref<1x128x128xf32, #tpu.memory_space<hbm>>
      %dma_wait3A_66 = tpu.memref_squeeze %dma_wait3A_65 : memref<1x128x128xf32, #tpu.memory_space<hbm>> -> memref<128x128xf32, #tpu.memory_space<hbm>>
      tpu.wait_dma2 semaphore(%run_scoped3A : memref<!tpu.dma_semaphore, #tpu.memory_space<semaphore_mem>>) src(%arg14 : memref<128x128xf32, #tpu.memory_space<vmem>>) dst(%dma_wait3A_66 : memref<128x128xf32, #tpu.memory_space<hbm>>)
      tpu.yield
    }) : () -> ()
    %mul3A_45 = arith.constant 640 : i32
    %mul3A_46 = arith.muli %arg1, %mul3A_45 : i32
    %add3A_47 = arith.constant 256 : i32
    %add3A_48 = arith.addi %mul3A_46, %add3A_47 : i32
    "tpu.region"() ({
      %run_scoped3A = tpu.sem_alloc : memref<!tpu.dma_semaphore, #tpu.memory_space<semaphore_mem>>
      %dma_start3A = arith.constant 0 : i32
      %dma_start3A_57 = tpu.memref_slice %arg15[%add3A_48, %dma_start3A] : memref<10240x128xf32, #tpu.memory_space<vmem_shared>> -> memref<128x128xf32, #tpu.memory_space<vmem_shared>>
      %dma_start3A_58 = arith.constant 0 : i32
      %dma_start3A_59 = tpu.memref_slice %arg15[%add3A_48, %dma_start3A_58] : memref<10240x128xf32, #tpu.memory_space<vmem_shared>> -> memref<128x128xf32, #tpu.memory_space<vmem_shared>>
      tpu.enqueue_dma source(%dma_start3A_59 : memref<128x128xf32, #tpu.memory_space<vmem_shared>>) target(%arg14 : memref<128x128xf32, #tpu.memory_space<vmem>>) target_semaphore(%run_scoped3A : memref<!tpu.dma_semaphore, #tpu.memory_space<semaphore_mem>>)
      %dma_wait3A = arith.constant 0 : i32
      %dma_wait3A_60 = tpu.memref_slice %arg15[%add3A_48, %dma_wait3A] : memref<10240x128xf32, #tpu.memory_space<vmem_shared>> -> memref<128x128xf32, #tpu.memory_space<vmem_shared>>
      %dma_wait3A_61 = arith.constant 0 : i32
      %dma_wait3A_62 = tpu.memref_slice %arg15[%add3A_48, %dma_wait3A_61] : memref<10240x128xf32, #tpu.memory_space<vmem_shared>> -> memref<128x128xf32, #tpu.memory_space<vmem_shared>>
      tpu.wait_dma2 semaphore(%run_scoped3A : memref<!tpu.dma_semaphore, #tpu.memory_space<semaphore_mem>>) src(%dma_wait3A_62 : memref<128x128xf32, #tpu.memory_space<vmem_shared>>) dst(%arg14 : memref<128x128xf32, #tpu.memory_space<vmem>>)
      tpu.yield
    }) : () -> ()
    "tpu.region"() ({
      %run_scoped3A = tpu.sem_alloc : memref<!tpu.dma_semaphore, #tpu.memory_space<semaphore_mem>>
      %dma_start3A = arith.constant 0 : i32
      %dma_start3A_57 = tpu.memref_slice %arg7[%arg0, %add3A_48, %dma_start3A] : memref<2x10240x128xf32, #tpu.memory_space<hbm>> -> memref<1x128x128xf32, #tpu.memory_space<hbm>>
      %dma_start3A_58 = tpu.memref_squeeze %dma_start3A_57 : memref<1x128x128xf32, #tpu.memory_space<hbm>> -> memref<128x128xf32, #tpu.memory_space<hbm>>
      %dma_start3A_59 = arith.constant 0 : i32
      %dma_start3A_60 = tpu.memref_slice %arg7[%arg0, %add3A_48, %dma_start3A_59] : memref<2x10240x128xf32, #tpu.memory_space<hbm>> -> memref<1x128x128xf32, #tpu.memory_space<hbm>>
      %dma_start3A_61 = tpu.memref_squeeze %dma_start3A_60 : memref<1x128x128xf32, #tpu.memory_space<hbm>> -> memref<128x128xf32, #tpu.memory_space<hbm>>
      tpu.enqueue_dma source(%arg14 : memref<128x128xf32, #tpu.memory_space<vmem>>) target(%dma_start3A_61 : memref<128x128xf32, #tpu.memory_space<hbm>>) target_semaphore(%run_scoped3A : memref<!tpu.dma_semaphore, #tpu.memory_space<semaphore_mem>>)
      %dma_wait3A = arith.constant 0 : i32
      %dma_wait3A_62 = tpu.memref_slice %arg7[%arg0, %add3A_48, %dma_wait3A] : memref<2x10240x128xf32, #tpu.memory_space<hbm>> -> memref<1x128x128xf32, #tpu.memory_space<hbm>>
      %dma_wait3A_63 = tpu.memref_squeeze %dma_wait3A_62 : memref<1x128x128xf32, #tpu.memory_space<hbm>> -> memref<128x128xf32, #tpu.memory_space<hbm>>
      %dma_wait3A_64 = arith.constant 0 : i32
      %dma_wait3A_65 = tpu.memref_slice %arg7[%arg0, %add3A_48, %dma_wait3A_64] : memref<2x10240x128xf32, #tpu.memory_space<hbm>> -> memref<1x128x128xf32, #tpu.memory_space<hbm>>
      %dma_wait3A_66 = tpu.memref_squeeze %dma_wait3A_65 : memref<1x128x128xf32, #tpu.memory_space<hbm>> -> memref<128x128xf32, #tpu.memory_space<hbm>>
      tpu.wait_dma2 semaphore(%run_scoped3A : memref<!tpu.dma_semaphore, #tpu.memory_space<semaphore_mem>>) src(%arg14 : memref<128x128xf32, #tpu.memory_space<vmem>>) dst(%dma_wait3A_66 : memref<128x128xf32, #tpu.memory_space<hbm>>)
      tpu.yield
    }) : () -> ()
    %mul3A_49 = arith.constant 640 : i32
    %mul3A_50 = arith.muli %arg1, %mul3A_49 : i32
    %add3A_51 = arith.constant 384 : i32
    %add3A_52 = arith.addi %mul3A_50, %add3A_51 : i32
    "tpu.region"() ({
      %run_scoped3A = tpu.sem_alloc : memref<!tpu.dma_semaphore, #tpu.memory_space<semaphore_mem>>
      %dma_start3A = arith.constant 0 : i32
      %dma_start3A_57 = tpu.memref_slice %arg15[%add3A_52, %dma_start3A] : memref<10240x128xf32, #tpu.memory_space<vmem_shared>> -> memref<128x128xf32, #tpu.memory_space<vmem_shared>>
      %dma_start3A_58 = arith.constant 0 : i32
      %dma_start3A_59 = tpu.memref_slice %arg15[%add3A_52, %dma_start3A_58] : memref<10240x128xf32, #tpu.memory_space<vmem_shared>> -> memref<128x128xf32, #tpu.memory_space<vmem_shared>>
      tpu.enqueue_dma source(%dma_start3A_59 : memref<128x128xf32, #tpu.memory_space<vmem_shared>>) target(%arg14 : memref<128x128xf32, #tpu.memory_space<vmem>>) target_semaphore(%run_scoped3A : memref<!tpu.dma_semaphore, #tpu.memory_space<semaphore_mem>>)
      %dma_wait3A = arith.constant 0 : i32
      %dma_wait3A_60 = tpu.memref_slice %arg15[%add3A_52, %dma_wait3A] : memref<10240x128xf32, #tpu.memory_space<vmem_shared>> -> memref<128x128xf32, #tpu.memory_space<vmem_shared>>
      %dma_wait3A_61 = arith.constant 0 : i32
      %dma_wait3A_62 = tpu.memref_slice %arg15[%add3A_52, %dma_wait3A_61] : memref<10240x128xf32, #tpu.memory_space<vmem_shared>> -> memref<128x128xf32, #tpu.memory_space<vmem_shared>>
      tpu.wait_dma2 semaphore(%run_scoped3A : memref<!tpu.dma_semaphore, #tpu.memory_space<semaphore_mem>>) src(%dma_wait3A_62 : memref<128x128xf32, #tpu.memory_space<vmem_shared>>) dst(%arg14 : memref<128x128xf32, #tpu.memory_space<vmem>>)
      tpu.yield
    }) : () -> ()
    "tpu.region"() ({
      %run_scoped3A = tpu.sem_alloc : memref<!tpu.dma_semaphore, #tpu.memory_space<semaphore_mem>>
      %dma_start3A = arith.constant 0 : i32
      %dma_start3A_57 = tpu.memref_slice %arg7[%arg0, %add3A_52, %dma_start3A] : memref<2x10240x128xf32, #tpu.memory_space<hbm>> -> memref<1x128x128xf32, #tpu.memory_space<hbm>>
      %dma_start3A_58 = tpu.memref_squeeze %dma_start3A_57 : memref<1x128x128xf32, #tpu.memory_space<hbm>> -> memref<128x128xf32, #tpu.memory_space<hbm>>
      %dma_start3A_59 = arith.constant 0 : i32
      %dma_start3A_60 = tpu.memref_slice %arg7[%arg0, %add3A_52, %dma_start3A_59] : memref<2x10240x128xf32, #tpu.memory_space<hbm>> -> memref<1x128x128xf32, #tpu.memory_space<hbm>>
      %dma_start3A_61 = tpu.memref_squeeze %dma_start3A_60 : memref<1x128x128xf32, #tpu.memory_space<hbm>> -> memref<128x128xf32, #tpu.memory_space<hbm>>
      tpu.enqueue_dma source(%arg14 : memref<128x128xf32, #tpu.memory_space<vmem>>) target(%dma_start3A_61 : memref<128x128xf32, #tpu.memory_space<hbm>>) target_semaphore(%run_scoped3A : memref<!tpu.dma_semaphore, #tpu.memory_space<semaphore_mem>>)
      %dma_wait3A = arith.constant 0 : i32
      %dma_wait3A_62 = tpu.memref_slice %arg7[%arg0, %add3A_52, %dma_wait3A] : memref<2x10240x128xf32, #tpu.memory_space<hbm>> -> memref<1x128x128xf32, #tpu.memory_space<hbm>>
      %dma_wait3A_63 = tpu.memref_squeeze %dma_wait3A_62 : memref<1x128x128xf32, #tpu.memory_space<hbm>> -> memref<128x128xf32, #tpu.memory_space<hbm>>
      %dma_wait3A_64 = arith.constant 0 : i32
      %dma_wait3A_65 = tpu.memref_slice %arg7[%arg0, %add3A_52, %dma_wait3A_64] : memref<2x10240x128xf32, #tpu.memory_space<hbm>> -> memref<1x128x128xf32, #tpu.memory_space<hbm>>
      %dma_wait3A_66 = tpu.memref_squeeze %dma_wait3A_65 : memref<1x128x128xf32, #tpu.memory_space<hbm>> -> memref<128x128xf32, #tpu.memory_space<hbm>>
      tpu.wait_dma2 semaphore(%run_scoped3A : memref<!tpu.dma_semaphore, #tpu.memory_space<semaphore_mem>>) src(%arg14 : memref<128x128xf32, #tpu.memory_space<vmem>>) dst(%dma_wait3A_66 : memref<128x128xf32, #tpu.memory_space<hbm>>)
      tpu.yield
    }) : () -> ()
    %mul3A_53 = arith.constant 640 : i32
    %mul3A_54 = arith.muli %arg1, %mul3A_53 : i32
    %add3A_55 = arith.constant 512 : i32
    %add3A_56 = arith.addi %mul3A_54, %add3A_55 : i32
    "tpu.region"() ({
      %run_scoped3A = tpu.sem_alloc : memref<!tpu.dma_semaphore, #tpu.memory_space<semaphore_mem>>
      %dma_start3A = arith.constant 0 : i32
      %dma_start3A_57 = tpu.memref_slice %arg15[%add3A_56, %dma_start3A] : memref<10240x128xf32, #tpu.memory_space<vmem_shared>> -> memref<128x128xf32, #tpu.memory_space<vmem_shared>>
      %dma_start3A_58 = arith.constant 0 : i32
      %dma_start3A_59 = tpu.memref_slice %arg15[%add3A_56, %dma_start3A_58] : memref<10240x128xf32, #tpu.memory_space<vmem_shared>> -> memref<128x128xf32, #tpu.memory_space<vmem_shared>>
      tpu.enqueue_dma source(%dma_start3A_59 : memref<128x128xf32, #tpu.memory_space<vmem_shared>>) target(%arg14 : memref<128x128xf32, #tpu.memory_space<vmem>>) target_semaphore(%run_scoped3A : memref<!tpu.dma_semaphore, #tpu.memory_space<semaphore_mem>>)
      %dma_wait3A = arith.constant 0 : i32
      %dma_wait3A_60 = tpu.memref_slice %arg15[%add3A_56, %dma_wait3A] : memref<10240x128xf32, #tpu.memory_space<vmem_shared>> -> memref<128x128xf32, #tpu.memory_space<vmem_shared>>
      %dma_wait3A_61 = arith.constant 0 : i32
      %dma_wait3A_62 = tpu.memref_slice %arg15[%add3A_56, %dma_wait3A_61] : memref<10240x128xf32, #tpu.memory_space<vmem_shared>> -> memref<128x128xf32, #tpu.memory_space<vmem_shared>>
      tpu.wait_dma2 semaphore(%run_scoped3A : memref<!tpu.dma_semaphore, #tpu.memory_space<semaphore_mem>>) src(%dma_wait3A_62 : memref<128x128xf32, #tpu.memory_space<vmem_shared>>) dst(%arg14 : memref<128x128xf32, #tpu.memory_space<vmem>>)
      tpu.yield
    }) : () -> ()
    "tpu.region"() ({
      %run_scoped3A = tpu.sem_alloc : memref<!tpu.dma_semaphore, #tpu.memory_space<semaphore_mem>>
      %dma_start3A = arith.constant 0 : i32
      %dma_start3A_57 = tpu.memref_slice %arg7[%arg0, %add3A_56, %dma_start3A] : memref<2x10240x128xf32, #tpu.memory_space<hbm>> -> memref<1x128x128xf32, #tpu.memory_space<hbm>>
      %dma_start3A_58 = tpu.memref_squeeze %dma_start3A_57 : memref<1x128x128xf32, #tpu.memory_space<hbm>> -> memref<128x128xf32, #tpu.memory_space<hbm>>
      %dma_start3A_59 = arith.constant 0 : i32
      %dma_start3A_60 = tpu.memref_slice %arg7[%arg0, %add3A_56, %dma_start3A_59] : memref<2x10240x128xf32, #tpu.memory_space<hbm>> -> memref<1x128x128xf32, #tpu.memory_space<hbm>>
      %dma_start3A_61 = tpu.memref_squeeze %dma_start3A_60 : memref<1x128x128xf32, #tpu.memory_space<hbm>> -> memref<128x128xf32, #tpu.memory_space<hbm>>
      tpu.enqueue_dma source(%arg14 : memref<128x128xf32, #tpu.memory_space<vmem>>) target(%dma_start3A_61 : memref<128x128xf32, #tpu.memory_space<hbm>>) target_semaphore(%run_scoped3A : memref<!tpu.dma_semaphore, #tpu.memory_space<semaphore_mem>>)
      %dma_wait3A = arith.constant 0 : i32
      %dma_wait3A_62 = tpu.memref_slice %arg7[%arg0, %add3A_56, %dma_wait3A] : memref<2x10240x128xf32, #tpu.memory_space<hbm>> -> memref<1x128x128xf32, #tpu.memory_space<hbm>>
      %dma_wait3A_63 = tpu.memref_squeeze %dma_wait3A_62 : memref<1x128x128xf32, #tpu.memory_space<hbm>> -> memref<128x128xf32, #tpu.memory_space<hbm>>
      %dma_wait3A_64 = arith.constant 0 : i32
      %dma_wait3A_65 = tpu.memref_slice %arg7[%arg0, %add3A_56, %dma_wait3A_64] : memref<2x10240x128xf32, #tpu.memory_space<hbm>> -> memref<1x128x128xf32, #tpu.memory_space<hbm>>
      %dma_wait3A_66 = tpu.memref_squeeze %dma_wait3A_65 : memref<1x128x128xf32, #tpu.memory_space<hbm>> -> memref<128x128xf32, #tpu.memory_space<hbm>>
      tpu.wait_dma2 semaphore(%run_scoped3A : memref<!tpu.dma_semaphore, #tpu.memory_space<semaphore_mem>>) src(%arg14 : memref<128x128xf32, #tpu.memory_space<vmem>>) dst(%dma_wait3A_66 : memref<128x128xf32, #tpu.memory_space<hbm>>)
      tpu.yield
    }) : () -> ()
    return
  }
}

module attributes {stable_mosaic.version = 14 : i64} {
  func.func @_tc_first(%arg0: i32, %arg1: memref<400x128xf32, #tpu.memory_space<vmem>>, %arg2: memref<128x2048xf32, #tpu.memory_space<vmem>>, %arg3: memref<128x128xf32, #tpu.memory_space<vmem>>, %arg4: memref<1x128xf32, #tpu.memory_space<vmem>>, %arg5: memref<400x2048xf32, #tpu.memory_space<vmem>>, %arg6: memref<400x128xf32, #tpu.memory_space<vmem>>) attributes {dimension_semantics = [#tpu.dimension_semantics<arbitrary>], iteration_bounds = array<i64: 25>, scalar_prefetch = 0 : i64, scratch_operands = 0 : i64, tpu.core_type = #tpu.core_type<tc>, window_params = [{transform_indices = @transform_0, window_bounds = array<i64: 400, 128>}, {pipeline_mode = #tpu.pipeline_mode<synchronous>, transform_indices = @transform_1, window_bounds = array<i64: 128, 2048>}, {pipeline_mode = #tpu.pipeline_mode<synchronous>, transform_indices = @transform_2, window_bounds = array<i64: 128, 128>}, {pipeline_mode = #tpu.pipeline_mode<synchronous>, transform_indices = @transform_3, window_bounds = array<i64: 1, 128>}, {transform_indices = @transform_4, window_bounds = array<i64: 400, 2048>}, {transform_indices = @transform_5, window_bounds = array<i64: 400, 128>}]} {
    %get3A = arith.constant 0 : index
    %get3A_0 = arith.constant 0 : index
    %get3A_1 = vector.load %arg1[%get3A, %get3A_0] : memref<400x128xf32, #tpu.memory_space<vmem>>, vector<400x128xf32>
    %get3A_2 = arith.constant 0 : index
    %get3A_3 = arith.constant 0 : index
    %get3A_4 = vector.load %arg2[%get3A_2, %get3A_3] : memref<128x2048xf32, #tpu.memory_space<vmem>>, vector<128x2048xf32>
    %dot_general3A = arith.constant dense<0.000000e+00> : vector<400x2048xf32>
    %dot_general3A_5 = tpu.matmul %get3A_1, %get3A_4, %dot_general3A {dimension_numbers = #tpu.dot_dimension_numbers<[1], [0], [0], [1], [0, 0, 1, 1], [], []>, transpose_lhs_hint = false} : vector<400x128xf32>, vector<128x2048xf32>, vector<400x2048xf32> -> vector<400x2048xf32>
    %swap3A = arith.constant 0 : index
    %swap3A_6 = arith.constant 0 : index
    %swap3A_7 = vector.load %arg5[%swap3A, %swap3A_6] : memref<400x2048xf32, #tpu.memory_space<vmem>>, vector<400x2048xf32>
    tpu.vector_store %arg5[%swap3A, %swap3A_6], %dot_general3A_5 {strides = array<i32>} : memref<400x2048xf32, #tpu.memory_space<vmem>>, vector<400x2048xf32>,
    %get3A_8 = arith.constant 0 : index
    %get3A_9 = arith.constant 0 : index
    %get3A_10 = vector.load %arg3[%get3A_8, %get3A_9] : memref<128x128xf32, #tpu.memory_space<vmem>>, vector<128x128xf32>
    %dot_general3A_11 = arith.constant dense<0.000000e+00> : vector<400x128xf32>
    %dot_general3A_12 = tpu.matmul %get3A_1, %get3A_10, %dot_general3A_11 {dimension_numbers = #tpu.dot_dimension_numbers<[1], [0], [0], [1], [0, 0, 1, 1], [], []>, transpose_lhs_hint = false} : vector<400x128xf32>, vector<128x128xf32>, vector<400x128xf32> -> vector<400x128xf32>
    %get3A_13 = arith.constant 0 : index
    %get3A_14 = arith.constant 0 : index
    %get3A_15 = vector.load %arg4[%get3A_13, %get3A_14] : memref<1x128xf32, #tpu.memory_space<vmem>>, vector<1x128xf32>
    %add3A = vector.broadcast %get3A_15 : vector<1x128xf32> to vector<400x128xf32>
    %add3A_16 = arith.addf %dot_general3A_12, %add3A : vector<400x128xf32>
    %swap3A_17 = arith.constant 0 : index
    %swap3A_18 = arith.constant 0 : index
    %swap3A_19 = vector.load %arg6[%swap3A_17, %swap3A_18] : memref<400x128xf32, #tpu.memory_space<vmem>>, vector<400x128xf32>
    tpu.vector_store %arg6[%swap3A_17, %swap3A_18], %add3A_16 {strides = array<i32>} : memref<400x128xf32, #tpu.memory_space<vmem>>, vector<400x128xf32>,
    return
  }
  func.func @transform_0(%arg0: i32) -> (i32, i32) {
    %c0_i32 = arith.constant 0 : i32
    %c0_i32_0 = arith.constant 0 : i32
    return %arg0, %c0_i32 : i32, i32
  }
  func.func @transform_1(%arg0: i32) -> (i32, i32) {
    %c0_i32 = arith.constant 0 : i32
    %c0_i32_0 = arith.constant 0 : i32
    %c0_i32_1 = arith.constant 0 : i32
    return %c0_i32, %c0_i32_0 : i32, i32
  }
  func.func @transform_2(%arg0: i32) -> (i32, i32) {
    %c0_i32 = arith.constant 0 : i32
    %c0_i32_0 = arith.constant 0 : i32
    %c0_i32_1 = arith.constant 0 : i32
    return %c0_i32, %c0_i32_0 : i32, i32
  }
  func.func @transform_3(%arg0: i32) -> (i32, i32) {
    %c0_i32 = arith.constant 0 : i32
    %c0_i32_0 = arith.constant 0 : i32
    %c0_i32_1 = arith.constant 0 : i32
    return %c0_i32, %c0_i32_0 : i32, i32
  }
  func.func @transform_4(%arg0: i32) -> (i32, i32) {
    %c0_i32 = arith.constant 0 : i32
    %c0_i32_0 = arith.constant 0 : i32
    return %arg0, %c0_i32 : i32, i32
  }
  func.func @transform_5(%arg0: i32) -> (i32, i32) {
    %c0_i32 = arith.constant 0 : i32
    %c0_i32_0 = arith.constant 0 : i32
    return %arg0, %c0_i32 : i32, i32
  }
}

module attributes {stable_mosaic.version = 14 : i64} {
  func.func @_tc_mid(%arg0: i32, %arg1: memref<2x400x128xf32, #tpu.memory_space<vmem>>, %arg2: memref<400x128xf32, #tpu.memory_space<vmem>>, %arg3: memref<128x2048xf32, #tpu.memory_space<vmem>>, %arg4: memref<128x128xf32, #tpu.memory_space<vmem>>, %arg5: memref<1x128xf32, #tpu.memory_space<vmem>>, %arg6: memref<400x2048xf32, #tpu.memory_space<vmem>>, %arg7: memref<400x128xf32, #tpu.memory_space<vmem>>) attributes {dimension_semantics = [#tpu.dimension_semantics<arbitrary>], iteration_bounds = array<i64: 25>, scalar_prefetch = 0 : i64, scratch_operands = 0 : i64, tpu.core_type = #tpu.core_type<tc>, window_params = [{transform_indices = @transform_0, window_bounds = array<i64: 2, 400, 128>}, {transform_indices = @transform_1, window_bounds = array<i64: 400, 128>}, {pipeline_mode = #tpu.pipeline_mode<synchronous>, transform_indices = @transform_2, window_bounds = array<i64: 128, 2048>}, {pipeline_mode = #tpu.pipeline_mode<synchronous>, transform_indices = @transform_3, window_bounds = array<i64: 128, 128>}, {pipeline_mode = #tpu.pipeline_mode<synchronous>, transform_indices = @transform_4, window_bounds = array<i64: 1, 128>}, {transform_indices = @transform_5, window_bounds = array<i64: 400, 2048>}, {transform_indices = @transform_6, window_bounds = array<i64: 400, 128>}]} {
    %get3A = arith.constant 0 : index
    %get3A_0 = arith.constant 0 : index
    %get3A_1 = arith.constant 0 : index
    %get3A_2 = vector.load %arg1[%get3A, %get3A_0, %get3A_1] : memref<2x400x128xf32, #tpu.memory_space<vmem>>, vector<1x400x128xf32>
    %get3A_3 = vector.shape_cast %get3A_2 : vector<1x400x128xf32> to vector<400x128xf32>
    %get3A_4 = arith.constant 1 : index
    %get3A_5 = arith.constant 0 : index
    %get3A_6 = arith.constant 0 : index
    %get3A_7 = vector.load %arg1[%get3A_4, %get3A_5, %get3A_6] : memref<2x400x128xf32, #tpu.memory_space<vmem>>, vector<1x400x128xf32>
    %get3A_8 = vector.shape_cast %get3A_7 : vector<1x400x128xf32> to vector<400x128xf32>
    %add3A = arith.addf %get3A_3, %get3A_8 : vector<400x128xf32>
    %get3A_9 = arith.constant 0 : index
    %get3A_10 = arith.constant 0 : index
    %get3A_11 = vector.load %arg2[%get3A_9, %get3A_10] : memref<400x128xf32, #tpu.memory_space<vmem>>, vector<400x128xf32>
    %add3A_12 = arith.addf %add3A, %get3A_11 : vector<400x128xf32>
    %max3A = arith.constant 0.000000e+00 : f32
    %max3A_13 = vector.broadcast %max3A : f32 to vector<400x128xf32>
    %max3A_14 = arith.maximumf %add3A_12, %max3A_13 : vector<400x128xf32>
    %get3A_15 = arith.constant 0 : index
    %get3A_16 = arith.constant 0 : index
    %get3A_17 = vector.load %arg3[%get3A_15, %get3A_16] : memref<128x2048xf32, #tpu.memory_space<vmem>>, vector<128x2048xf32>
    %dot_general3A = arith.constant dense<0.000000e+00> : vector<400x2048xf32>
    %dot_general3A_18 = tpu.matmul %max3A_14, %get3A_17, %dot_general3A {dimension_numbers = #tpu.dot_dimension_numbers<[1], [0], [0], [1], [0, 0, 1, 1], [], []>, transpose_lhs_hint = false} : vector<400x128xf32>, vector<128x2048xf32>, vector<400x2048xf32> -> vector<400x2048xf32>
    %swap3A = arith.constant 0 : index
    %swap3A_19 = arith.constant 0 : index
    %swap3A_20 = vector.load %arg6[%swap3A, %swap3A_19] : memref<400x2048xf32, #tpu.memory_space<vmem>>, vector<400x2048xf32>
    tpu.vector_store %arg6[%swap3A, %swap3A_19], %dot_general3A_18 {strides = array<i32>} : memref<400x2048xf32, #tpu.memory_space<vmem>>, vector<400x2048xf32>,
    %get3A_21 = arith.constant 0 : index
    %get3A_22 = arith.constant 0 : index
    %get3A_23 = vector.load %arg4[%get3A_21, %get3A_22] : memref<128x128xf32, #tpu.memory_space<vmem>>, vector<128x128xf32>
    %dot_general3A_24 = arith.constant dense<0.000000e+00> : vector<400x128xf32>
    %dot_general3A_25 = tpu.matmul %max3A_14, %get3A_23, %dot_general3A_24 {dimension_numbers = #tpu.dot_dimension_numbers<[1], [0], [0], [1], [0, 0, 1, 1], [], []>, transpose_lhs_hint = false} : vector<400x128xf32>, vector<128x128xf32>, vector<400x128xf32> -> vector<400x128xf32>
    %get3A_26 = arith.constant 0 : index
    %get3A_27 = arith.constant 0 : index
    %get3A_28 = vector.load %arg5[%get3A_26, %get3A_27] : memref<1x128xf32, #tpu.memory_space<vmem>>, vector<1x128xf32>
    %add3A_29 = vector.broadcast %get3A_28 : vector<1x128xf32> to vector<400x128xf32>
    %add3A_30 = arith.addf %dot_general3A_25, %add3A_29 : vector<400x128xf32>
    %swap3A_31 = arith.constant 0 : index
    %swap3A_32 = arith.constant 0 : index
    %swap3A_33 = vector.load %arg7[%swap3A_31, %swap3A_32] : memref<400x128xf32, #tpu.memory_space<vmem>>, vector<400x128xf32>
    tpu.vector_store %arg7[%swap3A_31, %swap3A_32], %add3A_30 {strides = array<i32>} : memref<400x128xf32, #tpu.memory_space<vmem>>, vector<400x128xf32>,
    return
  }
  func.func @transform_0(%arg0: i32) -> (i32, i32, i32) {
    %c0_i32 = arith.constant 0 : i32
    %c0_i32_0 = arith.constant 0 : i32
    %c0_i32_1 = arith.constant 0 : i32
    return %c0_i32, %arg0, %c0_i32_0 : i32, i32, i32
  }
  func.func @transform_1(%arg0: i32) -> (i32, i32) {
    %c0_i32 = arith.constant 0 : i32
    %c0_i32_0 = arith.constant 0 : i32
    return %arg0, %c0_i32 : i32, i32
  }
  func.func @transform_2(%arg0: i32) -> (i32, i32) {
    %c0_i32 = arith.constant 0 : i32
    %c0_i32_0 = arith.constant 0 : i32
    %c0_i32_1 = arith.constant 0 : i32
    return %c0_i32, %c0_i32_0 : i32, i32
  }
  func.func @transform_3(%arg0: i32) -> (i32, i32) {
    %c0_i32 = arith.constant 0 : i32
    %c0_i32_0 = arith.constant 0 : i32
    %c0_i32_1 = arith.constant 0 : i32
    return %c0_i32, %c0_i32_0 : i32, i32
  }
  func.func @transform_4(%arg0: i32) -> (i32, i32) {
    %c0_i32 = arith.constant 0 : i32
    %c0_i32_0 = arith.constant 0 : i32
    %c0_i32_1 = arith.constant 0 : i32
    return %c0_i32, %c0_i32_0 : i32, i32
  }
  func.func @transform_5(%arg0: i32) -> (i32, i32) {
    %c0_i32 = arith.constant 0 : i32
    %c0_i32_0 = arith.constant 0 : i32
    return %arg0, %c0_i32 : i32, i32
  }
  func.func @transform_6(%arg0: i32) -> (i32, i32) {
    %c0_i32 = arith.constant 0 : i32
    %c0_i32_0 = arith.constant 0 : i32
    return %arg0, %c0_i32 : i32, i32
  }
}

module attributes {stable_mosaic.version = 14 : i64} {
  func.func @_tc_last(%arg0: i32, %arg1: memref<2x400x128xf32, #tpu.memory_space<vmem>>, %arg2: memref<400x128xf32, #tpu.memory_space<vmem>>, %arg3: memref<400x128xf32, #tpu.memory_space<vmem>>) attributes {dimension_semantics = [#tpu.dimension_semantics<arbitrary>], iteration_bounds = array<i64: 25>, scalar_prefetch = 0 : i64, scratch_operands = 0 : i64, tpu.core_type = #tpu.core_type<tc>, window_params = [{transform_indices = @transform_0, window_bounds = array<i64: 2, 400, 128>}, {transform_indices = @transform_1, window_bounds = array<i64: 400, 128>}, {transform_indices = @transform_2, window_bounds = array<i64: 400, 128>}]} {
    %get3A = arith.constant 0 : index
    %get3A_0 = arith.constant 0 : index
    %get3A_1 = arith.constant 0 : index
    %get3A_2 = vector.load %arg1[%get3A, %get3A_0, %get3A_1] : memref<2x400x128xf32, #tpu.memory_space<vmem>>, vector<1x400x128xf32>
    %get3A_3 = vector.shape_cast %get3A_2 : vector<1x400x128xf32> to vector<400x128xf32>
    %get3A_4 = arith.constant 1 : index
    %get3A_5 = arith.constant 0 : index
    %get3A_6 = arith.constant 0 : index
    %get3A_7 = vector.load %arg1[%get3A_4, %get3A_5, %get3A_6] : memref<2x400x128xf32, #tpu.memory_space<vmem>>, vector<1x400x128xf32>
    %get3A_8 = vector.shape_cast %get3A_7 : vector<1x400x128xf32> to vector<400x128xf32>
    %add3A = arith.addf %get3A_3, %get3A_8 : vector<400x128xf32>
    %get3A_9 = arith.constant 0 : index
    %get3A_10 = arith.constant 0 : index
    %get3A_11 = vector.load %arg2[%get3A_9, %get3A_10] : memref<400x128xf32, #tpu.memory_space<vmem>>, vector<400x128xf32>
    %add3A_12 = arith.addf %add3A, %get3A_11 : vector<400x128xf32>
    %swap3A = arith.constant 0 : index
    %swap3A_13 = arith.constant 0 : index
    %swap3A_14 = vector.load %arg3[%swap3A, %swap3A_13] : memref<400x128xf32, #tpu.memory_space<vmem>>, vector<400x128xf32>
    tpu.vector_store %arg3[%swap3A, %swap3A_13], %add3A_12 {strides = array<i32>} : memref<400x128xf32, #tpu.memory_space<vmem>>, vector<400x128xf32>,
    return
  }
  func.func @transform_0(%arg0: i32) -> (i32, i32, i32) {
    %c0_i32 = arith.constant 0 : i32
    %c0_i32_0 = arith.constant 0 : i32
    %c0_i32_1 = arith.constant 0 : i32
    return %c0_i32, %arg0, %c0_i32_0 : i32, i32, i32
  }
  func.func @transform_1(%arg0: i32) -> (i32, i32) {
    %c0_i32 = arith.constant 0 : i32
    %c0_i32_0 = arith.constant 0 : i32
    return %arg0, %c0_i32 : i32, i32
  }
  func.func @transform_2(%arg0: i32) -> (i32, i32) {
    %c0_i32 = arith.constant 0 : i32
    %c0_i32_0 = arith.constant 0 : i32
    return %arg0, %c0_i32 : i32, i32
  }
}

</mosaic_0001>

<sc_bundles>
// kernel: kernel.10.cloned.1.call-start
scs
__scs_entry_jumppad:
0x0: {  	(pc) =	sbr.rel $0x88, $3  }
0x1: {  	(tag) =	ssettag $0x0;
	lr =	simm.s32 $0x1  }
0x2: {  	[smem:$0x3F97] =	sst lr;
	_ =	strace $0xD0000000  }
0x3: {  	_ = 	snop  }
0x4: {  	_ = 	snop  }
0x5: {  	_ = 	snop  }
0x6: {  	_ = 	snop  }
0x7: {  	_ = 	snop  }
__scs_overlays_trampoline_lowered:
0x8: {  	[smem:$0x3FA6] =	sst s0  }
0x9: {  	[smem:$0x3FA7] =	sst s1  }
0xa: {  	[smem:$0x3FA8] =	sst s2  }
0xb: {  	[smem:$0x3FA9] =	sst s3  }
0xc: {  	[smem:$0x3FAA] =	sst s4  }
0xd: {  	[smem:$0x3FAB] =	sst s5  }
0xe: {  	[smem:$0x3FAC] =	sst s6  }
0xf: {  	[smem:$0x3FAD] =	sst s7  }
0x10: {  	[smem:$0x3FAE] =	sst s8  }
0x11: {  	[smem:$0x3FAF] =	sst s9;
	s0 =	simm.s32 @!p0 $0x0  }
0x12: {  	s1 =	sld [smem:$0x3F95];
	s0 =	simm.s32 @p0 $0x1  }
0x13: {  	[smem:$0x3FB0] =	sst s0;
	s0 =	simm.s32 @!p1 $0x0  }
0x14: {  	s2 =	sld [smem:$0x3F94];
	s0 =	simm.s32 @p1 $0x1  }
0x15: {  	[smem:$0x3FB1] =	sst s0;
	s0 =	simm.s32 @!p2 $0x0  }
0x16: {  	s3 =	sld [smem:$0x3FDB];
	s0 =	simm.s32 @p2 $0x1  }
0x17: {  	s4 =	simm.s32 $0x1BF5;
	[smem:$0x3FB3] =	sst s0  }
0x18: {  	s0 =	sld [smem:$0x3F96];
	_ =	swait.ge [sflag:s4], $0x0  }
0x19: {  	s7 =	sld [smem:$0x3F97]  }
0x1a: {  	s8 =	sadd.s32 $0xFFFFE003, lr  }
0x1b: {  	s9 =	sadd.s32 $0xFFFFFEF7, lr;
	s5 =	simm.s32 $0xFFFFFFFF;
	p2 =	slt.u32 s8, $0xFFFFF086  }
0x1c: {  	p1 =	slt.u32 s9, $0xF7A;
	s5 =	simm.s32 @!p2 $0x0  }
0x1d: {  	s5 =	simm.s32 @p1 $0x1;
	p0 =	seq.s32 s7, s2  }
0x1e: {  	s7 =	smul.u32 @!p0 $0xF7A, s2;
	p2 =	seq.s32 @!p0 s5, $0x0  }
0x1f: {  	s9 =	smul.u32 $0xF7A, s1;
	s8 =	simm.s32 @!p0 $0x1BF5;
	p2 =	por !p2, p0  }
0x20: {  	[sflag:s8] =	ssyncset.s32 @!p0 $0xFFFFF086;
	s6 =	sadd.s32 @!p0 s3, s7;
	s7 =	simm.s32 @!p0 $0x108  }
0x21: {  	s3 =	sadd.s32 s3, s9;
	s6 =	sadd.s32 @!p0 $0x88, s6;
	s7 =	simm.s32 @p2 $0x1082  }
0x22: {  	[simem:s7], [sflag:s8] =	dma.local @!p0 [hbm:s6], $0xF7A  }
0x23: {  	s9 =	sor.u32 $0xD0000000, s2;
	s6 =	simm.s32 $0x108;
	_ =	swait.ge @!p0 [sflag:s8], $0x0  }
0x24: {  	s3 =	sadd.s32 $0x88, s3;
	s6 =	simm.s32 @!p1 $0x1082;
	[sflag:s4] =	ssyncset.s32 $0xFFFFF086  }
0x25: {  	[simem:s6], [sflag:s4] =	dma.local [hbm:s3], $0xF7A  }
0x26: {  	[smem:$0x3F97] =	sst s1;
	(tag) =	ssettag s2;
	_ =	strace s9  }
0x27: {  	s1 =	sld [smem:$0x3FA7]  }
0x28: {  	s2 =	sld [smem:$0x3FA8]  }
0x29: {  	s4 =	sld [smem:$0x3FAA]  }
0x2a: {  	p0 =	seq.s32 s5, $0x0;
	s5 =	sld [smem:$0x3FAB]  }
0x2b: {  	s6 =	sld [smem:$0x3FAC]  }
0x2c: {  	s7 =	sld [smem:$0x3FAD]  }
0x2d: {  	s3 =	simm.s32 $0x108;
	s8 =	sld [smem:$0x3FAE]  }
0x2e: {  	s3 =	simm.s32 @!p0 $0x1082;
	s9 =	sld [smem:$0x3FAF]  }
0x2f: {  	lr =	sadd.s32 s0, s3;
	s0 =	sld [smem:$0x3FA6]  }
0x30: {  	s3 =	sld [smem:$0x3FA9]  }
0x31: {  	[smem:$0x3FB2] =	sst s10  }
0x32: {  	s10 =	sld [smem:$0x3FB0];
	_ =	sdelay $0x3  }
0x33: {  	p0 =	seq.s32 s10, $0x1;
	s10 =	sld [smem:$0x3FB2];
	_ =	sdelay $0x3  }
0x34: {  	[smem:$0x3FB2] =	sst s10  }
0x35: {  	s10 =	sld [smem:$0x3FB1];
	_ =	sdelay $0x3  }
0x36: {  	p1 =	seq.s32 s10, $0x1;
	s10 =	sld [smem:$0x3FB2];
	_ =	sdelay $0x3  }
0x37: {  	[smem:$0x3FB2] =	sst s10  }
0x38: {  	s10 =	sld [smem:$0x3FB3]  }
0x39: {  	_ = 	snop;
	(pc) =	sbr.ind lr, $3  }
0x3a: {  	_ = 	snop  }
0x3b: {  	_ = 	snop  }
0x3c: {  	p2 =	seq.s32 s10, $0x1;
	s10 =	sld [smem:$0x3FB2]  }
0x3d: {  	_ =	shalt  }
0x3e: {  	_ =	shalt  }
0x3f: {  	_ =	shalt  }
0x40: {  	_ =	shalt  }
0x41: {  	_ =	shalt  }
0x42: {  	_ =	shalt  }
0x43: {  	_ =	shalt  }
0x44: {  	_ =	shalt  }
0x45: {  	_ =	shalt  }
0x46: {  	_ =	shalt  }
0x47: {  	_ =	shalt  }
0x48: {  	_ =	shalt  }
0x49: {  	_ =	shalt  }
0x4a: {  	_ =	shalt  }
0x4b: {  	_ =	shalt  }
0x4c: {  	_ =	shalt  }
0x4d: {  	_ =	shalt  }
0x4e: {  	_ =	shalt  }
0x4f: {  	_ =	shalt  }
0x50: {  	_ =	shalt  }
0x51: {  	_ =	shalt  }
0x52: {  	_ =	shalt  }
0x53: {  	_ =	shalt  }
0x54: {  	_ =	shalt  }
0x55: {  	_ =	shalt  }
0x56: {  	_ =	shalt  }
0x57: {  	_ =	shalt  }
0x58: {  	_ =	shalt  }
0x59: {  	_ =	shalt  }
0x5a: {  	_ =	shalt  }
0x5b: {  	_ =	shalt  }
0x5c: {  	_ =	shalt  }
0x5d: {  	_ =	shalt  }
0x5e: {  	_ =	shalt  }
0x5f: {  	_ =	shalt  }
0x60: {  	_ =	shalt  }
0x61: {  	_ =	shalt  }
0x62: {  	_ =	shalt  }
0x63: {  	_ =	shalt  }
0x64: {  	_ =	shalt  }
0x65: {  	_ =	shalt  }
0x66: {  	_ =	shalt  }
0x67: {  	_ =	shalt  }
0x68: {  	_ =	shalt  }
0x69: {  	_ =	shalt  }
0x6a: {  	_ =	shalt  }
0x6b: {  	_ =	shalt  }
0x6c: {  	_ =	shalt  }
0x6d: {  	_ =	shalt  }
0x6e: {  	_ =	shalt  }
0x6f: {  	_ =	shalt  }
0x70: {  	_ =	shalt  }
0x71: {  	_ =	shalt  }
0x72: {  	_ =	shalt  }
0x73: {  	_ =	shalt  }
0x74: {  	_ =	shalt  }
0x75: {  	_ =	shalt  }
0x76: {  	_ =	shalt  }
0x77: {  	_ =	shalt  }
0x78: {  	_ =	shalt  }
0x79: {  	_ =	shalt  }
0x7a: {  	_ =	shalt  }
0x7b: {  	_ =	shalt  }
0x7c: {  	_ =	shalt  }
0x7d: {  	_ =	shalt  }
0x7e: {  	_ =	shalt  }
0x7f: {  	_ =	shalt  }
0x80: {  	_ =	shalt  }
0x81: {  	_ =	shalt  }
0x82: {  	_ =	shalt  }
0x83: {  	_ =	shalt  }
0x84: {  	_ =	shalt  }
0x85: {  	_ =	shalt  }
0x86: {  	_ =	shalt  }
0x87: {  	_ =	shalt  }
.Lfunc_end0:
.L_simem_size_0:
called_computation.1_lowered:
.L_overlay_start_0:
0x88: {  	s2 =	sld [smem:$0x3FD9]  }
0x89: {  	s3 =	sld [smem:$0x3FFE];
	_ =	sdelay $0x1  }
0x8a: {  	s1 =	srdreg.scid  }
0x8b: {  	s0 =	sand.u32 $0x1, s1  }
0x8c: {  	s17 =	sshll.u32 s0, $0xA;
	s2 =	sadd.s32 s3, s2  }
0x8d: {  	s2 =	sadd.s32 s2, s17  }
0x8e: {  	[smem:$0x3FBE] =	sst s2  }
0x8f: {  	_ = 	snop  }
0x90: {  	s2 =	sld [smem:$0x3FD0];
	(tm) =	ssettm $0x1  }
0x91: {  	s18 =	sld [smem:$0x3FFB];
	_ =	sdelay $0x3  }
0x92: {  	_ =	strace s18  }
0x93: {  	s3 =	sld [smem:$0x3FFC];
	_ =	sdelay $0x3  }
0x94: {  	_ =	strace s3  }
0x95: {  	s3 =	sld [smem:$0x3FFD];
	_ =	sdelay $0x3  }
0x96: {  	_ =	strace s3  }
0x97: {  	_ =	strace $0x8FFFFFFF  }
0x98: {  	s19 =	sld [smem:$0x3FDB];
	_ =	sdelay $0x1  }
0x99: {  	s4 =	simm.s32 $_scs_section_size  }
0x9a: {  	s5 =	simm.s32 $_size__tile_overlayer_lowered;
	s6 =	simm.s32 $_tile_overlayer_lowered  }
0x9b: {  	s22 =	simm.s32 $0x1BFF;
	s21 =	sshll.u32 s6, $0x1;
	s3 =	sadd.s32 s4, s19  }
0x9c: {  	s7 =	simm.s32 $0x0;
	s20 =	sshll.u32 s5, $0x1;
	s5 =	sadd.s32 s21, s3  }
0x9d: {  	[timem:s7], [sflag:s22] =	dma.local [hbm:s5], s20  }
0x9e: {  	_ =	swait.ge [sflag:s22], s20  }
0x9f: {  	s4 =	ssub.s32 $0x0, s20;
	[sflag:s22] =	ssyncset.done $0x0  }
0xa0: {  	[sflag:s22] =	ssyncadd.s32 s4;
	_ =	sdelay $0x1  }
0xa1: {  	s23 =	simm.s32 $0x1B8B  }
0xa2: {  	_ =	swait.ge [sflag:s23], $0x1  }
0xa3: {  	[sflag:s23] =	ssyncset.done $0x0  }
0xa4: {  	s25 =	simm.s32 $0x1B8E;
	s24 =	sld [smem:$0x3FFE];
	[sflag:s23] =	ssyncadd.s32 $0xFFFFFFFF  }
0xa5: {  	s26 =	simm.s32 $execute0_lowered;
	[smem:$0x3FD2] =	sst s25  }
0xa6: {  	s5 =	sshll.u32 s26, $0x1;
	_ =	strace $0x80000049;
	[dreg:$0x1] =	wrdreg $0xFFFFFFFF  }
0xa7: {  	s28 =	simm.s32 $_size_execute0_lowered;
	s3 =	sadd.s32 s3, s5;
	[dreg:$0x0] =	wrdreg $0x0  }
0xa8: {  	s5 =	sshll.u32 s28, $0x1;
	[dreg:$0x2] =	wrdreg s3  }
0xa9: {  	[dreg:$0x3] =	wrdreg s5  }
0xaa: {  	[dreg:$0x4] =	wrdreg $0xC0  }
0xab: {  	_ =	task [dreg:s7], $0x5FFFF  }
0xac: {  	[dreg:$0x1] =	wrdreg $0xFFFFFFFF  }
0xad: {  	[dreg:$0x0] =	wrdreg $0x60  }
0xae: {  	[dreg:$0x2] =	wrdreg s24  }
0xaf: {  	[dreg:$0x3] =	wrdreg s2  }
0xb0: {  	[dreg:$0x4] =	wrdreg $0x82800  }
0xb1: {  	[dreg:$0x5] =	wrdreg $0x9  }
0xb2: {  	_ =	task.clear_ibuf [dreg:s7], $0x6FFFF;
	_ =	strace $0x90000049  }
0xb3: {  	s29 =	simm.s32 $0x9;
	_ =	strace $0x8000004B  }
0xb4: {  	_ =	swait.ge [sflag:s29], $0x1  }
0xb5: {  	[sflag:s29] =	ssyncadd.s32 $0xFFFFFFFF  }
0xb6: {  	_ =	strace $0x9000004B  }
0xb7: {  	_ =	sfence  }
0xb8: {  	s30 =	sld [smem:$0x0];
	_ =	sdelay $0x2  }
0xb9: {  	s31 =	sshll.u32 s1, $0xD;
	s1 =	sshrl.u32 s1, $0x2  }
0xba: {  	s3 =	sand.u32 $0x4000, s31;
	s1 =	sadd.s32 s1, s30  }
0xbb: {  	s0 =	sor.u32 s3, s0;
	s1 =	sshll.u32 s1, $0x11  }
0xbc: {  	s0 =	sor.u32 s1, s0  }
0xbd: {  	s0 =	sadd.s32 $0x8F2B, s0  }
0xbe: {  	[sflag:s0] =	ssyncadd.remote.s32 $0x1  }
0xbf: {  	_ =	sfence.sel $0xFFFF  }
0xc0: {  	[dreg:$0x0] =	wrdreg $0xFFFFFFFF;
	(pc) =	sbr.abs _section_cstart, $3  }
0xc1: {  	[dreg:$0x1] =	wrdreg $0xFFFFFFFF  }
0xc2: {  	_ =	task.clear_ibuf [dreg:s7], $0x2FFFF;
	_ =	strace $0x9FFFFFFF  }
0xc3: {  	(tm) =	ssettm $0x7FFFFFFF  }
tec
execute0_lowered:
.L_overlay_start_1:
0x0: {  	(tag) =	ssettag $0x1  }
0x1: {  	s0 =	rddreg [dreg:$0x0]  }
0x2: {  	s1 =	rddreg [dreg:$0x1]  }
0x3: {  	s2 =	rddreg [dreg:$0x2];
	s3 =	simm.s32 $0x0;
	s4 =	srdreg.scid  }
0x4: {  	s12 =	stileid.u32;
	s28 =	simm.s32 $0x280;
	s29 =	simm.s32 $0x1  }
0x5: {  	s30 =	simm.s32 $0x0;
	s31 =	simm.s32 $0x0;
	[smem:$0x7FF] =	sst s3  }
0x6: {  	s5 =	sadd.s32 $0x290400, s0;
	s4 =	sand.u32 $0x1, s4;
	s10 =	smul.u32 $0x50000, s12  }
0x7: {  	s6 =	sadd.s32 $0x1A00, s0;
	s7 =	sadd.s32 $0xB800, s0;
	s14 =	smul.u32 $0x14000, s12  }
0x8: {  	s8 =	sadd.s32 $0x15600, s0;
	s0 =	sadd.s32 $0x1F400, s0;
	s22 =	sshll.u32 s12, $0x1  }
0x9: {  	_ =	strace $0x8000004A;
	s9 =	ssub.s32 $0x2, s4;
	s17 =	sor.u32 s4, s22  }
0xa: {  	s4 =	smul.u32 $0x140000, s4;
	s22 =	simm.s32 $0x2;
	s11 =	sshrl.u32 s9, $0x1  }
0xb: {  	s10 =	sshrl.u32 s10, $0x2;
	s16 =	sadd.s32 $0x4000, s14;
	s18 =	sadd.s32 $0x8000, s14  }
0xc: {  	s19 =	sadd.s32 $0xC000, s14;
	s20 =	sadd.s32 $0x10000, s14;
	s15 =	ssub.s32 s9, s11  }
0xd: {  	s9 =	sadd.s32 s10, s2;
	s10 =	sadd.s32 s16, s2;
	s11 =	sadd.s32 s18, s2  }
0xe: {  	s12 =	sadd.s32 s19, s2;
	s13 =	sadd.s32 s20, s2;
	s21 =	sadd.s32 s14, s4  }
0xf: {  	s16 =	sadd.s32 s4, s16;
	s14 =	smul.u32 $0x4F, s17;
	s24 =	sadd.s32 s4, s18  }
0x10: {  	s25 =	sadd.s32 s4, s19;
	s4 =	sadd.s32 s4, s20;
	s23 =	sshrl.u32 s21, $0x3  }
0x11: {  	s16 =	sshrl.u32 s16, $0x3;
	s26 =	sshrl.u32 s25, $0x3;
	s4 =	sshrl.u32 s4, $0x3  }
0x12: {  	s20 =	smax.u32 s15, $0x1;
	s21 =	simm.s32 $0x4280;
	s25 =	simm.s32 $0x180  }
0x13: {  	s17 =	sadd.s32 s0, s23;
	s16 =	sadd.s32 s0, s16;
	s18 =	sadd.s32 s0, s26  }
0x14: {  	s19 =	sadd.s32 s0, s4;
	[dreg:$0x5] =	wrdreg s16;
	s16 =	sshrl.u32 s24, $0x3  }
0x15: {  	s23 =	simm.s32 $0x80;
	[dreg:$0x4] =	wrdreg s17;
	s16 =	sadd.s32 s0, s16  }
0x16: {  	v0 =	vimm.f32 $0.0e+00;
	s26 =	simm.s32 $0x200;
	s24 =	simm.s32 $0x100;
	[dreg:$0x6] =	wrdreg s16  }
.LBB2_1:
0x17: {  	s0 =	simm.s32 $0x0;
	s4 =	simm.s32 $0x200  }
.LBB2_2:
0x18: {  	p0 =	sne.s32 s4, $0xFE00;
	[tilespmem:s0+$0x42F0] =	vst v0  }
0x19: {  	[tilespmem:s0+$0x4280] =	vst v0  }
0x1a: {  	[tilespmem:s0+$0x4290] =	vst v0  }
.Ltmp0:
0x1b: {  	[tilespmem:s0+$0x42A0] =	vst v0;
	(pc) =	sbr.rel @p0 .LBB2_2-.Ltmp0, $4  }
0x1c: {  	[tilespmem:s0+$0x42B0] =	vst v0  }
0x1d: {  	[tilespmem:s0+$0x42C0] =	vst v0  }
0x1e: {  	[tilespmem:s0+$0x42D0] =	vst v0  }
0x1f: {  	[tilespmem:s0+$0x42E0] =	vst v0;
	s0 =	sshra.s32 s4, $0x2;
	s4 =	sadd.s32 $0x200, s4  }
0x20: {  	[tilespmem:s0+$0x42F0] =	vst v0  }
0x21: {  	[tilespmem:s0+$0x4280] =	vst v0  }
0x22: {  	[tilespmem:s0+$0x4290] =	vst v0  }
0x23: {  	[tilespmem:s0+$0x42A0] =	vst v0  }
0x24: {  	[tilespmem:s0+$0x42B0] =	vst v0  }
0x25: {  	[tilespmem:s0+$0x42C0] =	vst v0  }
0x26: {  	[tilespmem:s0+$0x42D0] =	vst v0  }
0x27: {  	[tilespmem:s0+$0x42E0] =	vst v0  }
0x28: {  	[spmem:s9] =	stream.linear.scatter [tilespmem:s21], [sflag:$0x2], $0x4000, $0x38;
	[tilespmem:$0x1C280] =	vst v63  }
0x29: {  	_ =	swait.ge [sflag:s22], $0x4000  }
0x2a: {  	[sflag:s22] =	ssyncset.done $0x0  }
0x2b: {  	[sflag:s22] =	ssyncadd.s32 $0xFFFFC000  }
0x2c: {  	[spmem:s10] =	stream.linear.scatter [tilespmem:s21], [sflag:$0x2], $0x4000, $0x38;
	[tilespmem:$0x1C280] =	vst v63  }
0x2d: {  	_ =	swait.ge [sflag:s22], $0x4000  }
0x2e: {  	[sflag:s22] =	ssyncset.done $0x0  }
0x2f: {  	[sflag:s22] =	ssyncadd.s32 $0xFFFFC000  }
0x30: {  	[spmem:s11] =	stream.linear.scatter [tilespmem:s21], [sflag:$0x2], $0x4000, $0x38;
	[tilespmem:$0x1C280] =	vst v63  }
0x31: {  	_ =	swait.ge [sflag:s22], $0x4000  }
0x32: {  	[sflag:s22] =	ssyncset.done $0x0  }
0x33: {  	[sflag:s22] =	ssyncadd.s32 $0xFFFFC000  }
0x34: {  	[spmem:s12] =	stream.linear.scatter [tilespmem:s21], [sflag:$0x2], $0x4000, $0x38;
	[tilespmem:$0x1C280] =	vst v63  }
0x35: {  	_ =	swait.ge [sflag:s22], $0x4000  }
0x36: {  	[sflag:s22] =	ssyncset.done $0x0  }
0x37: {  	[sflag:s22] =	ssyncadd.s32 $0xFFFFC000  }
0x38: {  	[spmem:s13] =	stream.linear.scatter [tilespmem:s21], [sflag:$0x2], $0x4000, $0x38;
	[tilespmem:$0x1C280] =	vst v63  }
0x39: {  	_ =	swait.ge [sflag:s22], $0x4000  }
0x3a: {  	[sflag:s22] =	ssyncset.done $0x0  }
0x3b: {  	[sflag:s22] =	ssyncadd.s32 $0xFFFFC000  }
0x3c: {  	s0 =	simm.s32 $0x0;
	[bflag:$0x0] =	sbarrier.arrive $0xFFFF  }
.LBB2_4:
0x3d: {  	s4 =	sadd.s32 s14, s0  }
0x3e: {  	s4 =	sshll.u32 s4, $0x4  }
0x3f: {  	s15 =	sadd.s32 s1, s4  }
0x40: {  	[tilespmem:s31], [sflag:$0x2] =	stream.linear.gather [hbm4b:s15+s31], $0x80, $0x38;
	[tilespmem:$0x1C280] =	vst v63  }
0x41: {  	_ =	swait.ge [sflag:s22], $0x80  }
0x42: {  	[sflag:s22] =	ssyncset.done $0x0  }
0x43: {  	s16 =	sadd.s32 s6, s4;
	[sflag:s22] =	ssyncadd.s32 $0xFFFFFF80  }
0x44: {  	[tilespmem:s23], [sflag:$0x2] =	stream.linear.gather [hbm4b:s16+s31], $0x80, $0x38;
	[tilespmem:$0x1C280] =	vst v63  }
0x45: {  	_ =	swait.ge [sflag:s22], $0x80  }
0x46: {  	[sflag:s22] =	ssyncset.done $0x0  }
0x47: {  	s17 =	sadd.s32 s7, s4;
	[sflag:s22] =	ssyncadd.s32 $0xFFFFFF80  }
0x48: {  	[tilespmem:s24], [sflag:$0x2] =	stream.linear.gather [hbm4b:s17+s31], $0x80, $0x38;
	[tilespmem:$0x1C280] =	vst v63  }
0x49: {  	_ =	swait.ge [sflag:s22], $0x80  }
0x4a: {  	[sflag:s22] =	ssyncset.done $0x0  }
0x4b: {  	s4 =	sadd.s32 s8, s4;
	[sflag:s22] =	ssyncadd.s32 $0xFFFFFF80  }
0x4c: {  	[tilespmem:s25], [sflag:$0x2] =	stream.linear.gather [hbm4b:s4+s31], $0x80, $0x38;
	[tilespmem:$0x1C280] =	vst v63  }
0x4d: {  	_ =	swait.ge [sflag:s22], $0x80  }
0x4e: {  	[sflag:s22] =	ssyncset.done $0x0  }
0x4f: {  	[sflag:s22] =	ssyncadd.s32 $0xFFFFFF80  }
0x50: {  	v1 =	vld [tilespmem:$0x0]  }
0x51: {  	v2 =	vld [tilespmem:$0x80]  }
0x52: {  	v3 =	vld [tilespmem:$0x10]  }
0x53: {  	v4 =	vld [tilespmem:$0x90]  }
0x54: {  	v5 =	vld [tilespmem:$0x20]  }
0x55: {  	v6 =	vld [tilespmem:$0xA0]  }
0x56: {  	v7 =	vld [tilespmem:$0x30]  }
0x57: {  	v8 =	vld [tilespmem:$0xB0]  }
0x58: {  	v9 =	vld [tilespmem:$0x40]  }
0x59: {  	v10 =	vld [tilespmem:$0xC0]  }
0x5a: {  	v11 =	vld [tilespmem:$0x50]  }
0x5b: {  	v12 =	vld [tilespmem:$0xD0]  }
0x5c: {  	v13 =	vld [tilespmem:$0x60];
	v1 =	vshll.u32 v1, $0x4  }
0x5d: {  	v1 =	vadd.s32 v2, v1;
	v2 =	vshll.u32 v3, $0x4;
	v3 =	vld [tilespmem:$0xE0]  }
0x5e: {  	[tilespmem:$0x200] =	vst v1;
	v1 =	vadd.s32 v4, v2;
	v2 =	vshll.u32 v5, $0x4;
	v4 =	vld [tilespmem:$0x70]  }
0x5f: {  	v5 =	vld [tilespmem:$0xF0];
	[tilespmem:$0x210] =	vst v1;
	v1 =	vadd.s32 v6, v2;
	v2 =	vshll.u32 v7, $0x4  }
0x60: {  	[tilespmem:$0x220] =	vst v1;
	v1 =	vadd.s32 v8, v2;
	v2 =	vshll.u32 v9, $0x4  }
0x61: {  	[tilespmem:$0x230] =	vst v1;
	v1 =	vadd.s32 v10, v2;
	v2 =	vshll.u32 v11, $0x4  }
0x62: {  	[tilespmem:$0x240] =	vst v1;
	v1 =	vadd.s32 v12, v2;
	v2 =	vshll.u32 v13, $0x4  }
0x63: {  	[tilespmem:$0x250] =	vst v1;
	v1 =	vadd.s32 v3, v2;
	v2 =	vshll.u32 v4, $0x4  }
0x64: {  	[tilespmem:$0x260] =	vst v1;
	v1 =	vadd.s32 v5, v2  }
0x65: {  	[tilespmem:$0x270] =	vst v1  }
0x66: {  	[tilespmem:s28], [sflag:$0x1] =	stream.indirect.gather [hbm4b:s5+s23], $0x80, s26, s23, $0xb8;
	[tilespmem:$0x1C280] =	vst v63  }
0x67: {  	_ =	swait.ge [sflag:s29], $0x4000  }
0x68: {  	v1 =	vmov s31;
	[sflag:s29] =	ssyncset.done $0x0  }
0x69: {  	s4 =	simm.s32 $0x2C0;
	[sflag:s29] =	ssyncadd.s32 $0xFFFFC000  }
0x6a: {  	v5 =	vld [tilespmem:s4+$0x30]  }
0x6b: {  	v8 =	vld [tilespmem:s4+$0x10]  }
0x6c: {  	v6 =	vld [tilespmem:s4+$0xFFFFFFC0]  }
0x6d: {  	v2 =	vld.idx.msk [tilespmem:v1+s25+$0x0], $0xffff  }
0x6e: {  	v10 =	vld [tilespmem:s4+$0xFFFFFFE0]  }
0x6f: {  	v1 =	vld [tilespmem:s4+$0xFFFFFFF0]  }
0x70: {  	v3 =	vld [tilespmem:s4+$0x20]  }
0x71: {  	v4 =	vld [tilespmem:s4+$0xFFFFFFD0]  }
0x72: {  	v9 =	vmul.f32 v5, v2;
	v5 =	vld [tilespmem:s4+$0x0]  }
0x73: {  	v7 =	vmul.f32 v6, v2  }
0x74: {  	s15 =	simm.s32 $0x1;
	s16 =	simm.s32 $0x2C0;
	v6 =	vmul.f32 v10, v2;
	v8 =	vmul.f32 v8, v2  }
.LBB2_5:
0x75: {  	p0 =	sne.s32 s15, $0x7F  }
0x76: {  	v4 =	vmul.f32 v4, v2;
	v3 =	vmul.f32 v3, v2;
	[tilespmem:s4+$0x30] =	vst v9;
	s16 =	sadd.s32 $0x80, s16;
	s17 =	smov.u32 s15;
	s15 =	sadd.s32 $0x1, s15  }
0x77: {  	[tilespmem:s4+$0xFFFFFFC0] =	vst v7;
	v7 =	vmul.f32 v1, v2;
	v2 =	vmul.f32 v5, v2  }
0x78: {  	[tilespmem:s4+$0x10] =	vst v8  }
0x79: {  	v5 =	vmov s17;
	[tilespmem:s4+$0xFFFFFFE0] =	vst v6  }
0x7a: {  	v1 =	vld [tilespmem:s16+$0xFFFFFFF0];
	[tilespmem:s4+$0xFFFFFFF0] =	vst v7  }
0x7b: {  	v6 =	vld [tilespmem:s16+$0x30];
	[tilespmem:s4+$0x0] =	vst v2  }
0x7c: {  	v8 =	vld [tilespmem:s16+$0x10];
	[tilespmem:s4+$0x20] =	vst v3  }
0x7d: {  	v7 =	vld [tilespmem:s16+$0xFFFFFFC0];
	[tilespmem:s4+$0xFFFFFFD0] =	vst v4;
	s4 =	smov.u32 s16  }
0x7e: {  	v2 =	vld.idx.msk [tilespmem:v5+s25+$0x0], $0xffff  }
0x7f: {  	v10 =	vld [tilespmem:s16+$0xFFFFFFE0]  }
0x80: {  	v3 =	vld [tilespmem:s16+$0x20]  }
.Ltmp1:
0x81: {  	v4 =	vld [tilespmem:s16+$0xFFFFFFD0];
	(pc) =	sbr.rel @p0 .LBB2_5-.Ltmp1, $3  }
0x82: {  	v5 =	vld [tilespmem:s16+$0x0];
	_ =	sdelay $0x1  }
0x83: {  	v7 =	vmul.f32 v7, v2;
	v9 =	vmul.f32 v6, v2  }
0x84: {  	v8 =	vmul.f32 v8, v2;
	v6 =	vmul.f32 v10, v2  }
0x85: {  	[tilespmem:s4+$0x30] =	vst v9  }
0x86: {  	[tilespmem:s4+$0xFFFFFFC0] =	vst v7  }
0x87: {  	v1 =	vmul.f32 v1, v2;
	[tilespmem:s4+$0x10] =	vst v8  }
0x88: {  	v3 =	vmul.f32 v3, v2;
	[tilespmem:s4+$0xFFFFFFE0] =	vst v6  }
0x89: {  	v5 =	vmul.f32 v5, v2;
	[tilespmem:s4+$0xFFFFFFF0] =	vst v1  }
0x8a: {  	s0 =	sadd.s32 $0x1, s0;
	v1 =	vmul.f32 v4, v2;
	[tilespmem:s4+$0x20] =	vst v3  }
0x8b: {  	p0 =	sne.s32 s0, $0x4F;
	[tilespmem:s4+$0x0] =	vst v5  }
.Ltmp2:
0x8c: {  	[tilespmem:s4+$0xFFFFFFD0] =	vst v1;
	(pc) =	sbr.rel @p0 .LBB2_4-.Ltmp2, $4  }
0x8d: {  	[spmem:s2] =	stream.indirect.scatter.add.f32 [tilespmem:s28], [sflag:$0x2], $0x80, s24, s23, $0xb8;
	[tilespmem:$0x1C280] =	vst v63  }
0x8e: {  	_ =	swait.ge [sflag:s22], $0x4000  }
0x8f: {  	[sflag:s22] =	ssyncset.done $0x0  }
0x90: {  	[sflag:s22] =	ssyncadd.s32 $0xFFFFC000  }
0x91: {  	[bflag:$0x0] =	sbarrier.arrive $0xFFFF  }
0x92: {  	[tilespmem:s21], [sflag:$0x2] =	stream.linear.gather [spmem:s9], $0x4000, $0x38;
	[tilespmem:$0x1C280] =	vst v63  }
0x93: {  	_ =	swait.ge [sflag:s22], $0x4000  }
0x94: {  	[sflag:s22] =	ssyncset.done $0x0  }
0x95: {  	s0 =	rddreg [dreg:$0x4];
	[sflag:s22] =	ssyncadd.s32 $0xFFFFC000  }
0x96: {  	[hbm4b:s0+s3] =	stream.linear.scatter [tilespmem:s21], [sflag:$0x2], $0x4000, $0x38;
	[tilespmem:$0x1C280] =	vst v63  }
0x97: {  	_ =	swait.ge [sflag:s22], $0x4000  }
0x98: {  	[sflag:s22] =	ssyncset.done $0x0  }
0x99: {  	[sflag:s22] =	ssyncadd.s32 $0xFFFFC000  }
0x9a: {  	[tilespmem:s21], [sflag:$0x2] =	stream.linear.gather [spmem:s10], $0x4000, $0x38;
	[tilespmem:$0x1C280] =	vst v63  }
0x9b: {  	_ =	swait.ge [sflag:s22], $0x4000  }
0x9c: {  	[sflag:s22] =	ssyncset.done $0x0  }
0x9d: {  	s16 =	rddreg [dreg:$0x5];
	[sflag:s22] =	ssyncadd.s32 $0xFFFFC000  }
0x9e: {  	[hbm4b:s16+s3] =	stream.linear.scatter [tilespmem:s21], [sflag:$0x2], $0x4000, $0x38;
	[tilespmem:$0x1C280] =	vst v63  }
0x9f: {  	_ =	swait.ge [sflag:s22], $0x4000  }
0xa0: {  	[sflag:s22] =	ssyncset.done $0x0  }
0xa1: {  	[sflag:s22] =	ssyncadd.s32 $0xFFFFC000  }
0xa2: {  	[tilespmem:s21], [sflag:$0x2] =	stream.linear.gather [spmem:s11], $0x4000, $0x38;
	[tilespmem:$0x1C280] =	vst v63  }
0xa3: {  	_ =	swait.ge [sflag:s22], $0x4000  }
0xa4: {  	[sflag:s22] =	ssyncset.done $0x0  }
0xa5: {  	s17 =	rddreg [dreg:$0x6];
	[sflag:s22] =	ssyncadd.s32 $0xFFFFC000  }
0xa6: {  	[hbm4b:s17+s3] =	stream.linear.scatter [tilespmem:s21], [sflag:$0x2], $0x4000, $0x38;
	[tilespmem:$0x1C280] =	vst v63  }
0xa7: {  	_ =	swait.ge [sflag:s22], $0x4000  }
0xa8: {  	[sflag:s22] =	ssyncset.done $0x0  }
0xa9: {  	[sflag:s22] =	ssyncadd.s32 $0xFFFFC000  }
0xaa: {  	[tilespmem:s21], [sflag:$0x2] =	stream.linear.gather [spmem:s12], $0x4000, $0x38;
	[tilespmem:$0x1C280] =	vst v63  }
0xab: {  	_ =	swait.ge [sflag:s22], $0x4000  }
0xac: {  	[sflag:s22] =	ssyncset.done $0x0  }
0xad: {  	[sflag:s22] =	ssyncadd.s32 $0xFFFFC000  }
0xae: {  	[hbm4b:s18+s3] =	stream.linear.scatter [tilespmem:s21], [sflag:$0x2], $0x4000, $0x38;
	[tilespmem:$0x1C280] =	vst v63  }
0xaf: {  	_ =	swait.ge [sflag:s22], $0x4000  }
0xb0: {  	[sflag:s22] =	ssyncset.done $0x0  }
0xb1: {  	[sflag:s22] =	ssyncadd.s32 $0xFFFFC000  }
0xb2: {  	[tilespmem:s21], [sflag:$0x2] =	stream.linear.gather [spmem:s13], $0x4000, $0x38;
	[tilespmem:$0x1C280] =	vst v63  }
0xb3: {  	s30 =	sadd.s32 $0x1, s30;
	_ =	swait.ge [sflag:s22], $0x4000  }
0xb4: {  	p0 =	sne.s32 s30, s20;
	[sflag:s22] =	ssyncset.done $0x0  }
.Ltmp3:
0xb5: {  	[sflag:s22] =	ssyncadd.s32 $0xFFFFC000;
	(pc) =	sbr.rel @p0 .LBB2_1-.Ltmp3, $4  }
0xb6: {  	[hbm4b:s19+s3] =	stream.linear.scatter [tilespmem:s21], [sflag:$0x2], $0x4000, $0x38;
	[tilespmem:$0x1C280] =	vst v63  }
0xb7: {  	_ =	swait.ge [sflag:s22], $0x4000  }
0xb8: {  	[sflag:s22] =	ssyncset.done $0x0  }
0xb9: {  	[sflag:s22] =	ssyncadd.s32 $0xFFFFC000  }
0xba: {  	_ =	sfence.sel $0x180000  }
0xbb: {  	[bflag:$0x0] =	sbarrier.arrive $0xFFFF  }
0xbc: {  	_ =	strace $0x9000004A  }
0xbd: {  	s0 =	stileid.u32;
	[bflag:$0x2] =	sbarrier.arrive $0xFFFF  }
0xbe: {  	p0 =	sne.s32 s0, $0x0;
	s0 =	rddreg [dreg:$0x3]  }
0xbf: {  	s0 =	sadd.s32 @!p0 $0x100000, s0  }
0xc0: {  	[sflag:s0] =	ssyncadd.tile.s32 @!p0 $0x1;
	_ =	shalt  }
.Lfunc_end2:
_tile_overlayer_lowered:
.L_overlay_start_2:
0xc1: {  	(tag) =	ssettag $0x2  }
0xc2: {  	s0 =	rddreg [dreg:$0x0];
	s2 =	stileid.u32  }
0xc3: {  	s1 =	rddreg [dreg:$0x1];
	p0 =	sne.s32 s2, $0x0  }
0xc4: {  	s3 =	rddreg [dreg:$0x2];
	[bflag:$0x3] =	sbarrier.arrive $0xFFFF;
	s2 =	simm.s32 @!p0 $0x1C02  }
0xc5: {  	[timem:s3], [sflag:s2] =	dma.local @!p0 [hbm:s0], s1  }
0xc6: {  	s0 =	simm.s32 @!p0 $0x2  }
0xc7: {  	_ =	swait.ge @!p0 [sflag:s0], s1  }
0xc8: {  	s1 =	ssub.s32 @!p0 $0x0, s1;
	[sflag:s0] =	ssyncset.done @!p0 $0x0  }
0xc9: {  	[sflag:s0] =	ssyncadd.s32 @!p0 s1  }
0xca: {  	[bflag:$0x3] =	sbarrier.arrive $0xFFFF  }
0xcb: {  	_ =	shalt  }

// kernel: kernel.7.cloned.1.call-start
scs
__scs_entry_jumppad:
0x0: {  	(pc) =	sbr.rel $0x88, $3  }
0x1: {  	(tag) =	ssettag $0x0;
	lr =	simm.s32 $0x1  }
0x2: {  	[smem:$0x3F97] =	sst lr;
	_ =	strace $0xD0000000  }
0x3: {  	_ = 	snop  }
0x4: {  	_ = 	snop  }
0x5: {  	_ = 	snop  }
0x6: {  	_ = 	snop  }
0x7: {  	_ = 	snop  }
__scs_overlays_trampoline_lowered:
0x8: {  	[smem:$0x3FA6] =	sst s0  }
0x9: {  	[smem:$0x3FA7] =	sst s1  }
0xa: {  	[smem:$0x3FA8] =	sst s2  }
0xb: {  	[smem:$0x3FA9] =	sst s3  }
0xc: {  	[smem:$0x3FAA] =	sst s4  }
0xd: {  	[smem:$0x3FAB] =	sst s5  }
0xe: {  	[smem:$0x3FAC] =	sst s6  }
0xf: {  	[smem:$0x3FAD] =	sst s7  }
0x10: {  	[smem:$0x3FAE] =	sst s8  }
0x11: {  	[smem:$0x3FAF] =	sst s9;
	s0 =	simm.s32 @!p0 $0x0  }
0x12: {  	s1 =	sld [smem:$0x3F95];
	s0 =	simm.s32 @p0 $0x1  }
0x13: {  	[smem:$0x3FB0] =	sst s0;
	s0 =	simm.s32 @!p1 $0x0  }
0x14: {  	s2 =	sld [smem:$0x3F94];
	s0 =	simm.s32 @p1 $0x1  }
0x15: {  	[smem:$0x3FB1] =	sst s0;
	s0 =	simm.s32 @!p2 $0x0  }
0x16: {  	s3 =	sld [smem:$0x3FDB];
	s0 =	simm.s32 @p2 $0x1  }
0x17: {  	s4 =	simm.s32 $0x1BF5;
	[smem:$0x3FB3] =	sst s0  }
0x18: {  	s0 =	sld [smem:$0x3F96];
	_ =	swait.ge [sflag:s4], $0x0  }
0x19: {  	s7 =	sld [smem:$0x3F97]  }
0x1a: {  	s8 =	sadd.s32 $0xFFFFE003, lr  }
0x1b: {  	s9 =	sadd.s32 $0xFFFFFEF7, lr;
	s5 =	simm.s32 $0xFFFFFFFF;
	p2 =	slt.u32 s8, $0xFFFFF086  }
0x1c: {  	p1 =	slt.u32 s9, $0xF7A;
	s5 =	simm.s32 @!p2 $0x0  }
0x1d: {  	s5 =	simm.s32 @p1 $0x1;
	p0 =	seq.s32 s7, s2  }
0x1e: {  	s7 =	smul.u32 @!p0 $0xF7A, s2;
	p2 =	seq.s32 @!p0 s5, $0x0  }
0x1f: {  	s9 =	smul.u32 $0xF7A, s1;
	s8 =	simm.s32 @!p0 $0x1BF5;
	p2 =	por !p2, p0  }
0x20: {  	[sflag:s8] =	ssyncset.s32 @!p0 $0xFFFFF086;
	s6 =	sadd.s32 @!p0 s3, s7;
	s7 =	simm.s32 @!p0 $0x108  }
0x21: {  	s3 =	sadd.s32 s3, s9;
	s6 =	sadd.s32 @!p0 $0x88, s6;
	s7 =	simm.s32 @p2 $0x1082  }
0x22: {  	[simem:s7], [sflag:s8] =	dma.local @!p0 [hbm:s6], $0xF7A  }
0x23: {  	s9 =	sor.u32 $0xD0000000, s2;
	s6 =	simm.s32 $0x108;
	_ =	swait.ge @!p0 [sflag:s8], $0x0  }
0x24: {  	s3 =	sadd.s32 $0x88, s3;
	s6 =	simm.s32 @!p1 $0x1082;
	[sflag:s4] =	ssyncset.s32 $0xFFFFF086  }
0x25: {  	[simem:s6], [sflag:s4] =	dma.local [hbm:s3], $0xF7A  }
0x26: {  	[smem:$0x3F97] =	sst s1;
	(tag) =	ssettag s2;
	_ =	strace s9  }
0x27: {  	s1 =	sld [smem:$0x3FA7]  }
0x28: {  	s2 =	sld [smem:$0x3FA8]  }
0x29: {  	s4 =	sld [smem:$0x3FAA]  }
0x2a: {  	p0 =	seq.s32 s5, $0x0;
	s5 =	sld [smem:$0x3FAB]  }
0x2b: {  	s6 =	sld [smem:$0x3FAC]  }
0x2c: {  	s7 =	sld [smem:$0x3FAD]  }
0x2d: {  	s3 =	simm.s32 $0x108;
	s8 =	sld [smem:$0x3FAE]  }
0x2e: {  	s3 =	simm.s32 @!p0 $0x1082;
	s9 =	sld [smem:$0x3FAF]  }
0x2f: {  	lr =	sadd.s32 s0, s3;
	s0 =	sld [smem:$0x3FA6]  }
0x30: {  	s3 =	sld [smem:$0x3FA9]  }
0x31: {  	[smem:$0x3FB2] =	sst s10  }
0x32: {  	s10 =	sld [smem:$0x3FB0];
	_ =	sdelay $0x3  }
0x33: {  	p0 =	seq.s32 s10, $0x1;
	s10 =	sld [smem:$0x3FB2];
	_ =	sdelay $0x3  }
0x34: {  	[smem:$0x3FB2] =	sst s10  }
0x35: {  	s10 =	sld [smem:$0x3FB1];
	_ =	sdelay $0x3  }
0x36: {  	p1 =	seq.s32 s10, $0x1;
	s10 =	sld [smem:$0x3FB2];
	_ =	sdelay $0x3  }
0x37: {  	[smem:$0x3FB2] =	sst s10  }
0x38: {  	s10 =	sld [smem:$0x3FB3]  }
0x39: {  	_ = 	snop;
	(pc) =	sbr.ind lr, $3  }
0x3a: {  	_ = 	snop  }
0x3b: {  	_ = 	snop  }
0x3c: {  	p2 =	seq.s32 s10, $0x1;
	s10 =	sld [smem:$0x3FB2]  }
0x3d: {  	_ =	shalt  }
0x3e: {  	_ =	shalt  }
0x3f: {  	_ =	shalt  }
0x40: {  	_ =	shalt  }
0x41: {  	_ =	shalt  }
0x42: {  	_ =	shalt  }
0x43: {  	_ =	shalt  }
0x44: {  	_ =	shalt  }
0x45: {  	_ =	shalt  }
0x46: {  	_ =	shalt  }
0x47: {  	_ =	shalt  }
0x48: {  	_ =	shalt  }
0x49: {  	_ =	shalt  }
0x4a: {  	_ =	shalt  }
0x4b: {  	_ =	shalt  }
0x4c: {  	_ =	shalt  }
0x4d: {  	_ =	shalt  }
0x4e: {  	_ =	shalt  }
0x4f: {  	_ =	shalt  }
0x50: {  	_ =	shalt  }
0x51: {  	_ =	shalt  }
0x52: {  	_ =	shalt  }
0x53: {  	_ =	shalt  }
0x54: {  	_ =	shalt  }
0x55: {  	_ =	shalt  }
0x56: {  	_ =	shalt  }
0x57: {  	_ =	shalt  }
0x58: {  	_ =	shalt  }
0x59: {  	_ =	shalt  }
0x5a: {  	_ =	shalt  }
0x5b: {  	_ =	shalt  }
0x5c: {  	_ =	shalt  }
0x5d: {  	_ =	shalt  }
0x5e: {  	_ =	shalt  }
0x5f: {  	_ =	shalt  }
0x60: {  	_ =	shalt  }
0x61: {  	_ =	shalt  }
0x62: {  	_ =	shalt  }
0x63: {  	_ =	shalt  }
0x64: {  	_ =	shalt  }
0x65: {  	_ =	shalt  }
0x66: {  	_ =	shalt  }
0x67: {  	_ =	shalt  }
0x68: {  	_ =	shalt  }
0x69: {  	_ =	shalt  }
0x6a: {  	_ =	shalt  }
0x6b: {  	_ =	shalt  }
0x6c: {  	_ =	shalt  }
0x6d: {  	_ =	shalt  }
0x6e: {  	_ =	shalt  }
0x6f: {  	_ =	shalt  }
0x70: {  	_ =	shalt  }
0x71: {  	_ =	shalt  }
0x72: {  	_ =	shalt  }
0x73: {  	_ =	shalt  }
0x74: {  	_ =	shalt  }
0x75: {  	_ =	shalt  }
0x76: {  	_ =	shalt  }
0x77: {  	_ =	shalt  }
0x78: {  	_ =	shalt  }
0x79: {  	_ =	shalt  }
0x7a: {  	_ =	shalt  }
0x7b: {  	_ =	shalt  }
0x7c: {  	_ =	shalt  }
0x7d: {  	_ =	shalt  }
0x7e: {  	_ =	shalt  }
0x7f: {  	_ =	shalt  }
0x80: {  	_ =	shalt  }
0x81: {  	_ =	shalt  }
0x82: {  	_ =	shalt  }
0x83: {  	_ =	shalt  }
0x84: {  	_ =	shalt  }
0x85: {  	_ =	shalt  }
0x86: {  	_ =	shalt  }
0x87: {  	_ =	shalt  }
.Lfunc_end0:
.L_simem_size_0:
called_computation_lowered:
.L_overlay_start_0:
0x88: {  	s2 =	sld [smem:$0x3FD9]  }
0x89: {  	s3 =	sld [smem:$0x3FFE];
	_ =	sdelay $0x1  }
0x8a: {  	s1 =	srdreg.scid  }
0x8b: {  	s0 =	sand.u32 $0x1, s1  }
0x8c: {  	s17 =	sshll.u32 s0, $0xA;
	s2 =	sadd.s32 s3, s2  }
0x8d: {  	s2 =	sadd.s32 s2, s17  }
0x8e: {  	[smem:$0x3FBE] =	sst s2  }
0x8f: {  	_ = 	snop  }
0x90: {  	s2 =	sld [smem:$0x3FD0];
	(tm) =	ssettm $0x1  }
0x91: {  	s18 =	sld [smem:$0x3FFB];
	_ =	sdelay $0x3  }
0x92: {  	_ =	strace s18  }
0x93: {  	s3 =	sld [smem:$0x3FFC];
	_ =	sdelay $0x3  }
0x94: {  	_ =	strace s3  }
0x95: {  	s3 =	sld [smem:$0x3FFD];
	_ =	sdelay $0x3  }
0x96: {  	_ =	strace s3  }
0x97: {  	_ =	strace $0x8FFFFFFF  }
0x98: {  	s19 =	sld [smem:$0x3FDB];
	_ =	sdelay $0x1  }
0x99: {  	s4 =	simm.s32 $_scs_section_size  }
0x9a: {  	s5 =	simm.s32 $_size__tile_overlayer_lowered;
	s6 =	simm.s32 $_tile_overlayer_lowered  }
0x9b: {  	s22 =	simm.s32 $0x1BFF;
	s21 =	sshll.u32 s6, $0x1;
	s3 =	sadd.s32 s4, s19  }
0x9c: {  	s7 =	simm.s32 $0x0;
	s20 =	sshll.u32 s5, $0x1;
	s5 =	sadd.s32 s21, s3  }
0x9d: {  	[timem:s7], [sflag:s22] =	dma.local [hbm:s5], s20  }
0x9e: {  	_ =	swait.ge [sflag:s22], s20  }
0x9f: {  	s4 =	ssub.s32 $0x0, s20;
	[sflag:s22] =	ssyncset.done $0x0  }
0xa0: {  	[sflag:s22] =	ssyncadd.s32 s4;
	_ =	sdelay $0x1  }
0xa1: {  	s23 =	simm.s32 $0x1B8B  }
0xa2: {  	_ =	swait.ge [sflag:s23], $0x1  }
0xa3: {  	[sflag:s23] =	ssyncset.done $0x0  }
0xa4: {  	s25 =	simm.s32 $0x1B8E;
	s24 =	sld [smem:$0x3FFE];
	[sflag:s23] =	ssyncadd.s32 $0xFFFFFFFF  }
0xa5: {  	s26 =	simm.s32 $execute0_lowered;
	[smem:$0x3FD2] =	sst s25  }
0xa6: {  	s5 =	sshll.u32 s26, $0x1;
	_ =	strace $0x80000046;
	[dreg:$0x1] =	wrdreg $0xFFFFFFFF  }
0xa7: {  	s28 =	simm.s32 $_size_execute0_lowered;
	s3 =	sadd.s32 s3, s5;
	[dreg:$0x0] =	wrdreg $0x0  }
0xa8: {  	s5 =	sshll.u32 s28, $0x1;
	[dreg:$0x2] =	wrdreg s3  }
0xa9: {  	[dreg:$0x3] =	wrdreg s5  }
0xaa: {  	[dreg:$0x4] =	wrdreg $0xC0  }
0xab: {  	_ =	task [dreg:s7], $0x5FFFF  }
0xac: {  	[dreg:$0x1] =	wrdreg $0xFFFFFFFF  }
0xad: {  	[dreg:$0x0] =	wrdreg $0x60  }
0xae: {  	[dreg:$0x2] =	wrdreg s24  }
0xaf: {  	[dreg:$0x3] =	wrdreg s2  }
0xb0: {  	[dreg:$0x4] =	wrdreg $0x82800  }
0xb1: {  	[dreg:$0x5] =	wrdreg $0x9  }
0xb2: {  	_ =	task.clear_ibuf [dreg:s7], $0x6FFFF;
	_ =	strace $0x90000046  }
0xb3: {  	s29 =	simm.s32 $0x9;
	_ =	strace $0x80000048  }
0xb4: {  	_ =	swait.ge [sflag:s29], $0x1  }
0xb5: {  	[sflag:s29] =	ssyncadd.s32 $0xFFFFFFFF  }
0xb6: {  	_ =	strace $0x90000048  }
0xb7: {  	_ =	sfence  }
0xb8: {  	s30 =	sld [smem:$0x0];
	_ =	sdelay $0x2  }
0xb9: {  	s31 =	sshll.u32 s1, $0xD;
	s1 =	sshrl.u32 s1, $0x2  }
0xba: {  	s3 =	sand.u32 $0x4000, s31;
	s1 =	sadd.s32 s1, s30  }
0xbb: {  	s0 =	sor.u32 s3, s0;
	s1 =	sshll.u32 s1, $0x11  }
0xbc: {  	s0 =	sor.u32 s1, s0  }
0xbd: {  	s0 =	sadd.s32 $0x8F2B, s0  }
0xbe: {  	[sflag:s0] =	ssyncadd.remote.s32 $0x1  }
0xbf: {  	_ =	sfence.sel $0xFFFF  }
0xc0: {  	[dreg:$0x0] =	wrdreg $0xFFFFFFFF;
	(pc) =	sbr.abs _section_cstart, $3  }
0xc1: {  	[dreg:$0x1] =	wrdreg $0xFFFFFFFF  }
0xc2: {  	_ =	task.clear_ibuf [dreg:s7], $0x2FFFF;
	_ =	strace $0x9FFFFFFF  }
0xc3: {  	(tm) =	ssettm $0x7FFFFFFF  }
tec
execute0_lowered:
.L_overlay_start_1:
0x0: {  	(tag) =	ssettag $0x1  }
0x1: {  	s0 =	rddreg [dreg:$0x0]  }
0x2: {  	s1 =	rddreg [dreg:$0x1]  }
0x3: {  	s2 =	rddreg [dreg:$0x2];
	s3 =	simm.s32 $0x0;
	s4 =	srdreg.scid  }
0x4: {  	s12 =	stileid.u32;
	s28 =	simm.s32 $0x280;
	s29 =	simm.s32 $0x1  }
0x5: {  	s30 =	simm.s32 $0x0;
	s31 =	simm.s32 $0x0;
	[smem:$0x7FF] =	sst s3  }
0x6: {  	s5 =	sadd.s32 $0x286600, s0;
	s4 =	sand.u32 $0x1, s4;
	s10 =	smul.u32 $0x50000, s12  }
0x7: {  	s6 =	sadd.s32 $0x1A00, s0;
	s7 =	sadd.s32 $0xB800, s0;
	s14 =	smul.u32 $0x14000, s12  }
0x8: {  	s8 =	sadd.s32 $0x15600, s0;
	s0 =	sadd.s32 $0x1F400, s0;
	s22 =	sshll.u32 s12, $0x1  }
0x9: {  	_ =	strace $0x80000047;
	s9 =	ssub.s32 $0x2, s4;
	s17 =	sor.u32 s4, s22  }
0xa: {  	s4 =	smul.u32 $0x140000, s4;
	s22 =	simm.s32 $0x2;
	s11 =	sshrl.u32 s9, $0x1  }
0xb: {  	s10 =	sshrl.u32 s10, $0x2;
	s16 =	sadd.s32 $0x4000, s14;
	s18 =	sadd.s32 $0x8000, s14  }
0xc: {  	s19 =	sadd.s32 $0xC000, s14;
	s20 =	sadd.s32 $0x10000, s14;
	s15 =	ssub.s32 s9, s11  }
0xd: {  	s9 =	sadd.s32 s10, s2;
	s10 =	sadd.s32 s16, s2;
	s11 =	sadd.s32 s18, s2  }
0xe: {  	s12 =	sadd.s32 s19, s2;
	s13 =	sadd.s32 s20, s2;
	s21 =	sadd.s32 s14, s4  }
0xf: {  	s16 =	sadd.s32 s4, s16;
	s14 =	smul.u32 $0x4F, s17;
	s24 =	sadd.s32 s4, s18  }
0x10: {  	s25 =	sadd.s32 s4, s19;
	s4 =	sadd.s32 s4, s20;
	s23 =	sshrl.u32 s21, $0x3  }
0x11: {  	s16 =	sshrl.u32 s16, $0x3;
	s26 =	sshrl.u32 s25, $0x3;
	s4 =	sshrl.u32 s4, $0x3  }
0x12: {  	s20 =	smax.u32 s15, $0x1;
	s21 =	simm.s32 $0x4280;
	s25 =	simm.s32 $0x180  }
0x13: {  	s17 =	sadd.s32 s0, s23;
	s16 =	sadd.s32 s0, s16;
	s18 =	sadd.s32 s0, s26  }
0x14: {  	s19 =	sadd.s32 s0, s4;
	[dreg:$0x5] =	wrdreg s16;
	s16 =	sshrl.u32 s24, $0x3  }
0x15: {  	s23 =	simm.s32 $0x80;
	[dreg:$0x4] =	wrdreg s17;
	s16 =	sadd.s32 s0, s16  }
0x16: {  	v0 =	vimm.f32 $0.0e+00;
	s26 =	simm.s32 $0x200;
	s24 =	simm.s32 $0x100;
	[dreg:$0x6] =	wrdreg s16  }
.LBB2_1:
0x17: {  	s0 =	simm.s32 $0x0;
	s4 =	simm.s32 $0x200  }
.LBB2_2:
0x18: {  	p0 =	sne.s32 s4, $0xFE00;
	[tilespmem:s0+$0x42F0] =	vst v0  }
0x19: {  	[tilespmem:s0+$0x4280] =	vst v0  }
0x1a: {  	[tilespmem:s0+$0x4290] =	vst v0  }
.Ltmp0:
0x1b: {  	[tilespmem:s0+$0x42A0] =	vst v0;
	(pc) =	sbr.rel @p0 .LBB2_2-.Ltmp0, $4  }
0x1c: {  	[tilespmem:s0+$0x42B0] =	vst v0  }
0x1d: {  	[tilespmem:s0+$0x42C0] =	vst v0  }
0x1e: {  	[tilespmem:s0+$0x42D0] =	vst v0  }
0x1f: {  	[tilespmem:s0+$0x42E0] =	vst v0;
	s0 =	sshra.s32 s4, $0x2;
	s4 =	sadd.s32 $0x200, s4  }
0x20: {  	[tilespmem:s0+$0x42F0] =	vst v0  }
0x21: {  	[tilespmem:s0+$0x4280] =	vst v0  }
0x22: {  	[tilespmem:s0+$0x4290] =	vst v0  }
0x23: {  	[tilespmem:s0+$0x42A0] =	vst v0  }
0x24: {  	[tilespmem:s0+$0x42B0] =	vst v0  }
0x25: {  	[tilespmem:s0+$0x42C0] =	vst v0  }
0x26: {  	[tilespmem:s0+$0x42D0] =	vst v0  }
0x27: {  	[tilespmem:s0+$0x42E0] =	vst v0  }
0x28: {  	[spmem:s9] =	stream.linear.scatter [tilespmem:s21], [sflag:$0x2], $0x4000, $0x38;
	[tilespmem:$0x1C280] =	vst v63  }
0x29: {  	_ =	swait.ge [sflag:s22], $0x4000  }
0x2a: {  	[sflag:s22] =	ssyncset.done $0x0  }
0x2b: {  	[sflag:s22] =	ssyncadd.s32 $0xFFFFC000  }
0x2c: {  	[spmem:s10] =	stream.linear.scatter [tilespmem:s21], [sflag:$0x2], $0x4000, $0x38;
	[tilespmem:$0x1C280] =	vst v63  }
0x2d: {  	_ =	swait.ge [sflag:s22], $0x4000  }
0x2e: {  	[sflag:s22] =	ssyncset.done $0x0  }
0x2f: {  	[sflag:s22] =	ssyncadd.s32 $0xFFFFC000  }
0x30: {  	[spmem:s11] =	stream.linear.scatter [tilespmem:s21], [sflag:$0x2], $0x4000, $0x38;
	[tilespmem:$0x1C280] =	vst v63  }
0x31: {  	_ =	swait.ge [sflag:s22], $0x4000  }
0x32: {  	[sflag:s22] =	ssyncset.done $0x0  }
0x33: {  	[sflag:s22] =	ssyncadd.s32 $0xFFFFC000  }
0x34: {  	[spmem:s12] =	stream.linear.scatter [tilespmem:s21], [sflag:$0x2], $0x4000, $0x38;
	[tilespmem:$0x1C280] =	vst v63  }
0x35: {  	_ =	swait.ge [sflag:s22], $0x4000  }
0x36: {  	[sflag:s22] =	ssyncset.done $0x0  }
0x37: {  	[sflag:s22] =	ssyncadd.s32 $0xFFFFC000  }
0x38: {  	[spmem:s13] =	stream.linear.scatter [tilespmem:s21], [sflag:$0x2], $0x4000, $0x38;
	[tilespmem:$0x1C280] =	vst v63  }
0x39: {  	_ =	swait.ge [sflag:s22], $0x4000  }
0x3a: {  	[sflag:s22] =	ssyncset.done $0x0  }
0x3b: {  	[sflag:s22] =	ssyncadd.s32 $0xFFFFC000  }
0x3c: {  	s0 =	simm.s32 $0x0;
	[bflag:$0x0] =	sbarrier.arrive $0xFFFF  }
.LBB2_4:
0x3d: {  	s4 =	sadd.s32 s14, s0  }
0x3e: {  	s4 =	sshll.u32 s4, $0x4  }
0x3f: {  	s15 =	sadd.s32 s1, s4  }
0x40: {  	[tilespmem:s31], [sflag:$0x2] =	stream.linear.gather [hbm4b:s15+s31], $0x80, $0x38;
	[tilespmem:$0x1C280] =	vst v63  }
0x41: {  	_ =	swait.ge [sflag:s22], $0x80  }
0x42: {  	[sflag:s22] =	ssyncset.done $0x0  }
0x43: {  	s16 =	sadd.s32 s6, s4;
	[sflag:s22] =	ssyncadd.s32 $0xFFFFFF80  }
0x44: {  	[tilespmem:s23], [sflag:$0x2] =	stream.linear.gather [hbm4b:s16+s31], $0x80, $0x38;
	[tilespmem:$0x1C280] =	vst v63  }
0x45: {  	_ =	swait.ge [sflag:s22], $0x80  }
0x46: {  	[sflag:s22] =	ssyncset.done $0x0  }
0x47: {  	s17 =	sadd.s32 s7, s4;
	[sflag:s22] =	ssyncadd.s32 $0xFFFFFF80  }
0x48: {  	[tilespmem:s24], [sflag:$0x2] =	stream.linear.gather [hbm4b:s17+s31], $0x80, $0x38;
	[tilespmem:$0x1C280] =	vst v63  }
0x49: {  	_ =	swait.ge [sflag:s22], $0x80  }
0x4a: {  	[sflag:s22] =	ssyncset.done $0x0  }
0x4b: {  	s4 =	sadd.s32 s8, s4;
	[sflag:s22] =	ssyncadd.s32 $0xFFFFFF80  }
0x4c: {  	[tilespmem:s25], [sflag:$0x2] =	stream.linear.gather [hbm4b:s4+s31], $0x80, $0x38;
	[tilespmem:$0x1C280] =	vst v63  }
0x4d: {  	_ =	swait.ge [sflag:s22], $0x80  }
0x4e: {  	[sflag:s22] =	ssyncset.done $0x0  }
0x4f: {  	[sflag:s22] =	ssyncadd.s32 $0xFFFFFF80  }
0x50: {  	v1 =	vld [tilespmem:$0x0]  }
0x51: {  	v2 =	vld [tilespmem:$0x80]  }
0x52: {  	v3 =	vld [tilespmem:$0x10]  }
0x53: {  	v4 =	vld [tilespmem:$0x90]  }
0x54: {  	v5 =	vld [tilespmem:$0x20]  }
0x55: {  	v6 =	vld [tilespmem:$0xA0]  }
0x56: {  	v7 =	vld [tilespmem:$0x30]  }
0x57: {  	v8 =	vld [tilespmem:$0xB0]  }
0x58: {  	v9 =	vld [tilespmem:$0x40]  }
0x59: {  	v10 =	vld [tilespmem:$0xC0]  }
0x5a: {  	v11 =	vld [tilespmem:$0x50]  }
0x5b: {  	v12 =	vld [tilespmem:$0xD0]  }
0x5c: {  	v13 =	vld [tilespmem:$0x60];
	v1 =	vshll.u32 v1, $0x4  }
0x5d: {  	v1 =	vadd.s32 v2, v1;
	v2 =	vshll.u32 v3, $0x4;
	v3 =	vld [tilespmem:$0xE0]  }
0x5e: {  	[tilespmem:$0x200] =	vst v1;
	v1 =	vadd.s32 v4, v2;
	v2 =	vshll.u32 v5, $0x4;
	v4 =	vld [tilespmem:$0x70]  }
0x5f: {  	v5 =	vld [tilespmem:$0xF0];
	[tilespmem:$0x210] =	vst v1;
	v1 =	vadd.s32 v6, v2;
	v2 =	vshll.u32 v7, $0x4  }
0x60: {  	[tilespmem:$0x220] =	vst v1;
	v1 =	vadd.s32 v8, v2;
	v2 =	vshll.u32 v9, $0x4  }
0x61: {  	[tilespmem:$0x230] =	vst v1;
	v1 =	vadd.s32 v10, v2;
	v2 =	vshll.u32 v11, $0x4  }
0x62: {  	[tilespmem:$0x240] =	vst v1;
	v1 =	vadd.s32 v12, v2;
	v2 =	vshll.u32 v13, $0x4  }
0x63: {  	[tilespmem:$0x250] =	vst v1;
	v1 =	vadd.s32 v3, v2;
	v2 =	vshll.u32 v4, $0x4  }
0x64: {  	[tilespmem:$0x260] =	vst v1;
	v1 =	vadd.s32 v5, v2  }
0x65: {  	[tilespmem:$0x270] =	vst v1  }
0x66: {  	[tilespmem:s28], [sflag:$0x1] =	stream.indirect.gather [hbm4b:s5+s23], $0x80, s26, s23, $0xb8;
	[tilespmem:$0x1C280] =	vst v63  }
0x67: {  	_ =	swait.ge [sflag:s29], $0x4000  }
0x68: {  	v1 =	vmov s31;
	[sflag:s29] =	ssyncset.done $0x0  }
0x69: {  	s4 =	simm.s32 $0x2C0;
	[sflag:s29] =	ssyncadd.s32 $0xFFFFC000  }
0x6a: {  	v5 =	vld [tilespmem:s4+$0x30]  }
0x6b: {  	v8 =	vld [tilespmem:s4+$0x10]  }
0x6c: {  	v6 =	vld [tilespmem:s4+$0xFFFFFFC0]  }
0x6d: {  	v2 =	vld.idx.msk [tilespmem:v1+s25+$0x0], $0xffff  }
0x6e: {  	v10 =	vld [tilespmem:s4+$0xFFFFFFE0]  }
0x6f: {  	v1 =	vld [tilespmem:s4+$0xFFFFFFF0]  }
0x70: {  	v3 =	vld [tilespmem:s4+$0x20]  }
0x71: {  	v4 =	vld [tilespmem:s4+$0xFFFFFFD0]  }
0x72: {  	v9 =	vmul.f32 v5, v2;
	v5 =	vld [tilespmem:s4+$0x0]  }
0x73: {  	v7 =	vmul.f32 v6, v2  }
0x74: {  	s15 =	simm.s32 $0x1;
	s16 =	simm.s32 $0x2C0;
	v6 =	vmul.f32 v10, v2;
	v8 =	vmul.f32 v8, v2  }
.LBB2_5:
0x75: {  	p0 =	sne.s32 s15, $0x7F  }
0x76: {  	v4 =	vmul.f32 v4, v2;
	v3 =	vmul.f32 v3, v2;
	[tilespmem:s4+$0x30] =	vst v9;
	s16 =	sadd.s32 $0x80, s16;
	s17 =	smov.u32 s15;
	s15 =	sadd.s32 $0x1, s15  }
0x77: {  	[tilespmem:s4+$0xFFFFFFC0] =	vst v7;
	v7 =	vmul.f32 v1, v2;
	v2 =	vmul.f32 v5, v2  }
0x78: {  	[tilespmem:s4+$0x10] =	vst v8  }
0x79: {  	v5 =	vmov s17;
	[tilespmem:s4+$0xFFFFFFE0] =	vst v6  }
0x7a: {  	v1 =	vld [tilespmem:s16+$0xFFFFFFF0];
	[tilespmem:s4+$0xFFFFFFF0] =	vst v7  }
0x7b: {  	v6 =	vld [tilespmem:s16+$0x30];
	[tilespmem:s4+$0x0] =	vst v2  }
0x7c: {  	v8 =	vld [tilespmem:s16+$0x10];
	[tilespmem:s4+$0x20] =	vst v3  }
0x7d: {  	v7 =	vld [tilespmem:s16+$0xFFFFFFC0];
	[tilespmem:s4+$0xFFFFFFD0] =	vst v4;
	s4 =	smov.u32 s16  }
0x7e: {  	v2 =	vld.idx.msk [tilespmem:v5+s25+$0x0], $0xffff  }
0x7f: {  	v10 =	vld [tilespmem:s16+$0xFFFFFFE0]  }
0x80: {  	v3 =	vld [tilespmem:s16+$0x20]  }
.Ltmp1:
0x81: {  	v4 =	vld [tilespmem:s16+$0xFFFFFFD0];
	(pc) =	sbr.rel @p0 .LBB2_5-.Ltmp1, $3  }
0x82: {  	v5 =	vld [tilespmem:s16+$0x0];
	_ =	sdelay $0x1  }
0x83: {  	v7 =	vmul.f32 v7, v2;
	v9 =	vmul.f32 v6, v2  }
0x84: {  	v8 =	vmul.f32 v8, v2;
	v6 =	vmul.f32 v10, v2  }
0x85: {  	[tilespmem:s4+$0x30] =	vst v9  }
0x86: {  	[tilespmem:s4+$0xFFFFFFC0] =	vst v7  }
0x87: {  	v1 =	vmul.f32 v1, v2;
	[tilespmem:s4+$0x10] =	vst v8  }
0x88: {  	v3 =	vmul.f32 v3, v2;
	[tilespmem:s4+$0xFFFFFFE0] =	vst v6  }
0x89: {  	v5 =	vmul.f32 v5, v2;
	[tilespmem:s4+$0xFFFFFFF0] =	vst v1  }
0x8a: {  	s0 =	sadd.s32 $0x1, s0;
	v1 =	vmul.f32 v4, v2;
	[tilespmem:s4+$0x20] =	vst v3  }
0x8b: {  	p0 =	sne.s32 s0, $0x4F;
	[tilespmem:s4+$0x0] =	vst v5  }
.Ltmp2:
0x8c: {  	[tilespmem:s4+$0xFFFFFFD0] =	vst v1;
	(pc) =	sbr.rel @p0 .LBB2_4-.Ltmp2, $4  }
0x8d: {  	[spmem:s2] =	stream.indirect.scatter.add.f32 [tilespmem:s28], [sflag:$0x2], $0x80, s24, s23, $0xb8;
	[tilespmem:$0x1C280] =	vst v63  }
0x8e: {  	_ =	swait.ge [sflag:s22], $0x4000  }
0x8f: {  	[sflag:s22] =	ssyncset.done $0x0  }
0x90: {  	[sflag:s22] =	ssyncadd.s32 $0xFFFFC000  }
0x91: {  	[bflag:$0x0] =	sbarrier.arrive $0xFFFF  }
0x92: {  	[tilespmem:s21], [sflag:$0x2] =	stream.linear.gather [spmem:s9], $0x4000, $0x38;
	[tilespmem:$0x1C280] =	vst v63  }
0x93: {  	_ =	swait.ge [sflag:s22], $0x4000  }
0x94: {  	[sflag:s22] =	ssyncset.done $0x0  }
0x95: {  	s0 =	rddreg [dreg:$0x4];
	[sflag:s22] =	ssyncadd.s32 $0xFFFFC000  }
0x96: {  	[hbm4b:s0+s3] =	stream.linear.scatter [tilespmem:s21], [sflag:$0x2], $0x4000, $0x38;
	[tilespmem:$0x1C280] =	vst v63  }
0x97: {  	_ =	swait.ge [sflag:s22], $0x4000  }
0x98: {  	[sflag:s22] =	ssyncset.done $0x0  }
0x99: {  	[sflag:s22] =	ssyncadd.s32 $0xFFFFC000  }
0x9a: {  	[tilespmem:s21], [sflag:$0x2] =	stream.linear.gather [spmem:s10], $0x4000, $0x38;
	[tilespmem:$0x1C280] =	vst v63  }
0x9b: {  	_ =	swait.ge [sflag:s22], $0x4000  }
0x9c: {  	[sflag:s22] =	ssyncset.done $0x0  }
0x9d: {  	s16 =	rddreg [dreg:$0x5];
	[sflag:s22] =	ssyncadd.s32 $0xFFFFC000  }
0x9e: {  	[hbm4b:s16+s3] =	stream.linear.scatter [tilespmem:s21], [sflag:$0x2], $0x4000, $0x38;
	[tilespmem:$0x1C280] =	vst v63  }
0x9f: {  	_ =	swait.ge [sflag:s22], $0x4000  }
0xa0: {  	[sflag:s22] =	ssyncset.done $0x0  }
0xa1: {  	[sflag:s22] =	ssyncadd.s32 $0xFFFFC000  }
0xa2: {  	[tilespmem:s21], [sflag:$0x2] =	stream.linear.gather [spmem:s11], $0x4000, $0x38;
	[tilespmem:$0x1C280] =	vst v63  }
0xa3: {  	_ =	swait.ge [sflag:s22], $0x4000  }
0xa4: {  	[sflag:s22] =	ssyncset.done $0x0  }
0xa5: {  	s17 =	rddreg [dreg:$0x6];
	[sflag:s22] =	ssyncadd.s32 $0xFFFFC000  }
0xa6: {  	[hbm4b:s17+s3] =	stream.linear.scatter [tilespmem:s21], [sflag:$0x2], $0x4000, $0x38;
	[tilespmem:$0x1C280] =	vst v63  }
0xa7: {  	_ =	swait.ge [sflag:s22], $0x4000  }
0xa8: {  	[sflag:s22] =	ssyncset.done $0x0  }
0xa9: {  	[sflag:s22] =	ssyncadd.s32 $0xFFFFC000  }
0xaa: {  	[tilespmem:s21], [sflag:$0x2] =	stream.linear.gather [spmem:s12], $0x4000, $0x38;
	[tilespmem:$0x1C280] =	vst v63  }
0xab: {  	_ =	swait.ge [sflag:s22], $0x4000  }
0xac: {  	[sflag:s22] =	ssyncset.done $0x0  }
0xad: {  	[sflag:s22] =	ssyncadd.s32 $0xFFFFC000  }
0xae: {  	[hbm4b:s18+s3] =	stream.linear.scatter [tilespmem:s21], [sflag:$0x2], $0x4000, $0x38;
	[tilespmem:$0x1C280] =	vst v63  }
0xaf: {  	_ =	swait.ge [sflag:s22], $0x4000  }
0xb0: {  	[sflag:s22] =	ssyncset.done $0x0  }
0xb1: {  	[sflag:s22] =	ssyncadd.s32 $0xFFFFC000  }
0xb2: {  	[tilespmem:s21], [sflag:$0x2] =	stream.linear.gather [spmem:s13], $0x4000, $0x38;
	[tilespmem:$0x1C280] =	vst v63  }
0xb3: {  	s30 =	sadd.s32 $0x1, s30;
	_ =	swait.ge [sflag:s22], $0x4000  }
0xb4: {  	p0 =	sne.s32 s30, s20;
	[sflag:s22] =	ssyncset.done $0x0  }
.Ltmp3:
0xb5: {  	[sflag:s22] =	ssyncadd.s32 $0xFFFFC000;
	(pc) =	sbr.rel @p0 .LBB2_1-.Ltmp3, $4  }
0xb6: {  	[hbm4b:s19+s3] =	stream.linear.scatter [tilespmem:s21], [sflag:$0x2], $0x4000, $0x38;
	[tilespmem:$0x1C280] =	vst v63  }
0xb7: {  	_ =	swait.ge [sflag:s22], $0x4000  }
0xb8: {  	[sflag:s22] =	ssyncset.done $0x0  }
0xb9: {  	[sflag:s22] =	ssyncadd.s32 $0xFFFFC000  }
0xba: {  	_ =	sfence.sel $0x180000  }
0xbb: {  	[bflag:$0x0] =	sbarrier.arrive $0xFFFF  }
0xbc: {  	_ =	strace $0x90000047  }
0xbd: {  	s0 =	stileid.u32;
	[bflag:$0x2] =	sbarrier.arrive $0xFFFF  }
0xbe: {  	p0 =	sne.s32 s0, $0x0;
	s0 =	rddreg [dreg:$0x3]  }
0xbf: {  	s0 =	sadd.s32 @!p0 $0x100000, s0  }
0xc0: {  	[sflag:s0] =	ssyncadd.tile.s32 @!p0 $0x1;
	_ =	shalt  }
.Lfunc_end2:
_tile_overlayer_lowered:
.L_overlay_start_2:
0xc1: {  	(tag) =	ssettag $0x2  }
0xc2: {  	s0 =	rddreg [dreg:$0x0];
	s2 =	stileid.u32  }
0xc3: {  	s1 =	rddreg [dreg:$0x1];
	p0 =	sne.s32 s2, $0x0  }
0xc4: {  	s3 =	rddreg [dreg:$0x2];
	[bflag:$0x3] =	sbarrier.arrive $0xFFFF;
	s2 =	simm.s32 @!p0 $0x1C02  }
0xc5: {  	[timem:s3], [sflag:s2] =	dma.local @!p0 [hbm:s0], s1  }
0xc6: {  	s0 =	simm.s32 @!p0 $0x2  }
0xc7: {  	_ =	swait.ge @!p0 [sflag:s0], s1  }
0xc8: {  	s1 =	ssub.s32 @!p0 $0x0, s1;
	[sflag:s0] =	ssyncset.done @!p0 $0x0  }
0xc9: {  	[sflag:s0] =	ssyncadd.s32 @!p0 s1  }
0xca: {  	[bflag:$0x3] =	sbarrier.arrive $0xFFFF  }
0xcb: {  	_ =	shalt  }

</sc_bundles>
